<compile_context>
chip_gen: v7x
topology: tpu7x:2x2x1
jax: 0.10.2.dev20260603
libtpu: 0.0.44.dev20260713+nightly
codegen_flags: <defaults>
</compile_context>

<pallas_src>
import functools

import jax
import jax.numpy as jnp
from jax import lax
from jax.experimental import pallas as pl
from jax.experimental.pallas import tpu as pltpu
from jax.experimental.pallas import tpu_sc as plsc

N = 10000
E = 324000
K = 27
EK = E // K
INC = 128
OUTC = 128

NC = 2
NS = 16
NW = NC * NS

C = 128
NBUF = 2

ROWS_PER_TILE = 632
ACC_R = NS * ROWS_PER_TILE

NB = 5
BLK = N // NB

NCH0, NCH1 = 132, 28


def _matmul_body(x_ref, w_ref, y_ref):
    y_ref[...] = jnp.dot(
        x_ref[...], w_ref[0], preferred_element_type=jnp.float32
    )[None]


def _tc_matmul(x, Wp):
    kspan = Wp.shape[0]
    return pl.pallas_call(
        _matmul_body,
        grid=(NB, kspan),
        in_specs=[
            pl.BlockSpec((BLK, INC), lambda nb, k: (nb, 0)),
            pl.BlockSpec((1, INC, OUTC), lambda nb, k: (k, 0, 0)),
        ],
        out_specs=pl.BlockSpec((1, BLK, OUTC), lambda nb, k: (k, nb, 0)),
        out_shape=jax.ShapeDtypeStruct((kspan, N, OUTC), jnp.float32),
    )(x, Wp).reshape(kspan * N, OUTC)


def _sc_accum(y2, gidx, dst, init, nch0, nch1):
    full_init = init.ndim == 3
    mesh = plsc.VectorSubcoreMesh(
        core_axis_name="c", subcore_axis_name="s", num_cores=NC, num_subcores=NS
    )

    @functools.partial(
        pl.kernel,
        out_type=jax.ShapeDtypeStruct((NC, ACC_R, OUTC), jnp.float32),
        mesh=mesh,
        scratch_types=[
            pltpu.VMEM((NBUF, 2, C), jnp.int32),
            pltpu.VMEM((NBUF, C, OUTC), jnp.float32),
            pltpu.VMEM_SHARED((ACC_R, OUTC), jnp.float32),
            [pltpu.SemaphoreType.DMA] * NBUF,
            [pltpu.SemaphoreType.DMA] * NBUF,
            [pltpu.SemaphoreType.DMA] * NBUF,
        ],
    )
    def sc_kernel(y_hbm, gidx_hbm, dst_hbm, init_hbm, out_hbm,
                  eidx_v, rows_v, acc_sh, semi, semg, sems):
        cid = lax.axis_index("c")
        sid = lax.axis_index("s")
        base = jnp.where(cid == 0, sid * nch0, NS * nch0 + sid * nch1)
        nch = jnp.where(cid == 0, nch0, nch1)
        ngrp = nch // NBUF

        acc_slice = acc_sh.at[pl.ds(sid * ROWS_PER_TILE, ROWS_PER_TILE)]
        if full_init:
            pltpu.sync_copy(
                init_hbm.at[cid, pl.ds(sid * ROWS_PER_TILE, ROWS_PER_TILE)],
                acc_slice)
        else:
            pltpu.sync_copy(init_hbm, acc_slice)
        plsc.subcore_barrier()

        def fire_idx(j, b):
            pltpu.async_copy(gidx_hbm.at[base + j], eidx_v.at[b, 0], semi[b])
            pltpu.async_copy(dst_hbm.at[base + j], eidx_v.at[b, 1], semi[b])

        def wait_idx(j, b):
            pltpu.make_async_copy(gidx_hbm.at[base + j], eidx_v.at[b, 0], semi[b]).wait()
            pltpu.make_async_copy(dst_hbm.at[base + j], eidx_v.at[b, 1], semi[b]).wait()

        def fire_gather(j, b):
            pltpu.async_copy(y_hbm.at[eidx_v.at[b, 0]], rows_v.at[b], semg[b])

        def wait_gather(j, b):
            pltpu.make_async_copy(y_hbm.at[eidx_v.at[b, 0]], rows_v.at[b], semg[b]).wait()

        def scatter_and_wait(j, b):
            pltpu.async_copy(
                rows_v.at[b], acc_sh.at[eidx_v.at[b, 1]], sems[b], add=True
            ).wait()

        fire_idx(0, 0)
        fire_idx(1, 1)
        wait_idx(0, 0)
        fire_gather(0, 0)

        def step(j, b, fire_next_idx, fire_next_gather):
            bn = 1 - b
            if fire_next_gather:
                wait_idx(j + 1, bn)
                fire_gather(j + 1, bn)
            wait_gather(j, b)
            scatter_and_wait(j, b)
            if fire_next_idx:
                fire_idx(j + 2, b)

        def group(g, carry):
            j = g * 2
            step(j, 0, True, True)
            step(j + 1, 1, True, True)
            return carry

        lax.fori_loop(0, ngrp - 1, group, 0)
        j = (ngrp - 1) * 2
        step(j, 0, False, True)
        step(j + 1, 1, False, False)

        plsc.subcore_barrier()
        pltpu.sync_copy(acc_sh.at[pl.ds(sid * ROWS_PER_TILE, ROWS_PER_TILE)],
                        out_hbm.at[cid, pl.ds(sid * ROWS_PER_TILE, ROWS_PER_TILE)])

    return sc_kernel(y2, gidx, dst, init)


def _edge_chunks(src, dst, k0, k1, nch0, nch1):
    nq = NS * (nch0 + nch1)
    ne = (k1 - k0) * EK
    gidx = (src[k0 * EK:k1 * EK].reshape(k1 - k0, EK)
            + (N * jnp.arange(k1 - k0, dtype=jnp.int32))[:, None]).reshape(ne)
    dstp = dst[k0 * EK:k1 * EK]
    pad = nq * C - ne
    gidx = jnp.concatenate([gidx, jnp.zeros((pad,), jnp.int32)])
    dump = N + (jnp.arange(pad, dtype=jnp.int32) % (ACC_R - N))
    dstp = jnp.concatenate([dstp, dump])
    return gidx.reshape(nq, C), dstp.reshape(nq, C)


def _bn_body(p_ref, g_ref, b_ref, o_ref):
    s = p_ref[0, :N, :] + p_ref[1, :N, :]
    mean = jnp.mean(s, axis=0, keepdims=True)
    var = jnp.mean((s - mean) ** 2, axis=0, keepdims=True)
    o_ref[...] = jnp.maximum(
        (s - mean) * lax.rsqrt(var + 1e-5) * g_ref[...] + b_ref[...], 0.0
    )


def _tc_bn_relu(parts, gamma, beta):
    return pl.pallas_call(
        _bn_body,
        out_shape=jax.ShapeDtypeStruct((N, OUTC), jnp.float32),
    )(parts, gamma.reshape(1, OUTC), beta.reshape(1, OUTC))


def kernel(x, W, gamma, beta, edge_index):
    src = edge_index[0]
    dst = edge_index[1]

    gidx, dstq = _edge_chunks(src, dst, 0, K, NCH0, NCH1)
    zeros = jnp.zeros((ROWS_PER_TILE, OUTC), jnp.float32)

    y = _tc_matmul(x, W)
    parts = _sc_accum(y, gidx, dstq, zeros, NCH0, NCH1)
    return _tc_bn_relu(parts, gamma, beta)

# --- scband reference (transcript-rebuilt; emitter-appended) ---
"""Pipeline reference for scband-basic-convolution-block-50611894616892 (READ-ONLY COPY).

The authoritative reference and input builder live on the scoring server;
editing this copy changes nothing except your own understanding.
"""

import jax, jax.numpy as jnp
import numpy as np

N = 10000
E = 324000
K = 27  # ks=3 -> 3^3 kernel offsets
INC = 128
OUTC = 128
EK = E // K


def setup_inputs(seed: int = 0) -> dict:
    key = jax.random.key(seed)
    k1, k2, k3 = jax.random.split(key, 3)
    x = jax.random.normal(k1, (N, INC), dtype=jnp.float32)
    # edge_index[0] = source voxel ids, edge_index[1] = destination voxel ids.
    # Edges are laid out contiguously by kernel offset: offset k owns slice [k*EK:(k+1)*EK],
    # mirroring torchsparse's per-offset neighbor (kernel) maps for a submanifold Conv3d.
    edge_index = jax.random.randint(k2, (2, E), 0, N, dtype=jnp.int32)
    W = jax.random.normal(k3, (K, INC, OUTC), dtype=jnp.float32) * (1.0 / np.sqrt(K * INC))
    gamma = jnp.ones((OUTC,), dtype=jnp.float32)
    beta = jnp.zeros((OUTC,), dtype=jnp.float32)
    return {"x": x, "W": W, "gamma": gamma, "beta": beta, "edge_index": edge_index}


def reference(x, W, gamma, beta, edge_index):
    # spnn.Conv3d (stride=1, submanifold): gather -> per-offset matmul -> scatter-add
    src = edge_index[0]
    dst = edge_index[1]
    out = jnp.zeros((N, OUTC), dtype=x.dtype)
    for k in range(K):
        s = jax.lax.dynamic_slice_in_dim(src, k * EK, EK, axis=0)
        d = jax.lax.dynamic_slice_in_dim(dst, k * EK, EK, axis=0)
        msg = jnp.take(x, s, axis=0) @ W[k]
        out = out.at[d].add(msg)
    # spnn.BatchNorm (training-mode batch statistics over the N sparse voxels)
    mean = jnp.mean(out, axis=0)
    var = jnp.var(out, axis=0)
    out = (out - mean) * jax.lax.rsqrt(var + 1e-5) * gamma + beta
    # spnn.ReLU(True)
    return jax.nn.relu(out)

if __name__ == "__main__":
    import jax
    _d = setup_inputs()
    print(jax.jit(kernel)(*tuple(_d.values())))

</pallas_src>

<mosaic_0001>
#map = affine_map<(d0, d1) -> (0, 0)>
#map1 = affine_map<(d0, d1) -> (0, 0, 0)>
module attributes {stable_mosaic.version = 14 : i64} {
  func.func @sc_kernel(%arg0: i32, %arg1: i32, %arg2: memref<270000x128xf32, #tpu.memory_space<hbm>>, %arg3: memref<2560x128xi32, #tpu.memory_space<hbm>>, %arg4: memref<2560x128xi32, #tpu.memory_space<hbm>>, %arg5: memref<632x128xf32, #tpu.memory_space<hbm>>, %arg6: memref<2x10112x128xf32, #tpu.memory_space<hbm>>, %arg7: memref<2x2x128xi32, #tpu.memory_space<vmem>>, %arg8: memref<2x128x128xf32, #tpu.memory_space<vmem>>, %arg9: memref<10112x128xf32, #tpu.memory_space<vmem_shared>>, %arg10: memref<!tpu.dma_semaphore, #tpu.memory_space<semaphore_mem>>, %arg11: memref<!tpu.dma_semaphore, #tpu.memory_space<semaphore_mem>>, %arg12: memref<!tpu.dma_semaphore, #tpu.memory_space<semaphore_mem>>, %arg13: memref<!tpu.dma_semaphore, #tpu.memory_space<semaphore_mem>>, %arg14: memref<!tpu.dma_semaphore, #tpu.memory_space<semaphore_mem>>, %arg15: memref<!tpu.dma_semaphore, #tpu.memory_space<semaphore_mem>>) attributes {dimension_semantics = [#tpu.dimension_semantics<core_parallel>, #tpu.dimension_semantics<subcore_parallel>], iteration_bounds = array<i64: 2, 16>, scalar_prefetch = 0 : i64, scratch_operands = 9 : i64, tpu.core_type = #tpu.core_type<sc_vector_subcore>, window_params = [{transform_indices = #map}, {transform_indices = #map}, {transform_indices = #map}, {transform_indices = #map}, {transform_indices = #map1}]} {
    %eq3A = arith.constant 0 : i32
    %eq3A_0 = arith.cmpi eq, %arg0, %eq3A : i32
    %mul3A = arith.constant 132 : i32
    %mul3A_1 = arith.muli %arg1, %mul3A : i32
    %mul3A_2 = arith.constant 28 : i32
    %mul3A_3 = arith.muli %arg1, %mul3A_2 : i32
    %add3A = arith.constant 2112 : i32
    %add3A_4 = arith.addi %add3A, %mul3A_3 : i32
    %select_n3A = arith.select %eq3A_0, %mul3A_1, %add3A_4 : i32
    %eq3A_5 = arith.constant 0 : i32
    %eq3A_6 = arith.cmpi eq, %arg0, %eq3A_5 : i32
    %jit3A = arith.constant 132 : i32
    %jit3A_7 = arith.constant 28 : i32
    %select_n3A_8 = arith.select %eq3A_6, %jit3A, %jit3A_7 : i32
    %jit3A_9 = arith.constant 2 : i32
    %div3A = arith.divsi %select_n3A_8, %jit3A_9 : i32
    %sign3A = arith.constant 0 : i32
    %sign3A_10 = arith.cmpi sgt, %select_n3A_8, %sign3A : i32
    %sign3A_11 = arith.extui %sign3A_10 : i1 to i32
    %sign3A_12 = arith.constant 0 : i32
    %sign3A_13 = arith.cmpi slt, %select_n3A_8, %sign3A_12 : i32
    %sign3A_14 = arith.extui %sign3A_13 : i1 to i32
    %sign3A_15 = arith.subi %sign3A_11, %sign3A_14 : i32
    %sign3A_16 = arith.constant 0 : i32
    %sign3A_17 = arith.cmpi sgt, %jit3A_9, %sign3A_16 : i32
    %sign3A_18 = arith.extui %sign3A_17 : i1 to i32
    %sign3A_19 = arith.constant 0 : i32
    %sign3A_20 = arith.cmpi slt, %jit3A_9, %sign3A_19 : i32
    %sign3A_21 = arith.extui %sign3A_20 : i1 to i32
    %sign3A_22 = arith.subi %sign3A_18, %sign3A_21 : i32
    %ne3A = arith.cmpi ne, %sign3A_15, %sign3A_22 : i32
    %rem3A = arith.remsi %select_n3A_8, %jit3A_9 : i32
    %ne3A_23 = arith.constant 0 : i32
    %ne3A_24 = arith.cmpi ne, %rem3A, %ne3A_23 : i32
    %and3A = arith.andi %ne3A, %ne3A_24 : i1
    %sub3A = arith.constant 1 : i32
    %sub3A_25 = arith.subi %div3A, %sub3A : i32
    %select_n3A_26 = arith.select %and3A, %sub3A_25, %div3A : i32
    %mul3A_27 = arith.constant 632 : i32
    %mul3A_28 = arith.muli %arg1, %mul3A_27 : i32
    "tpu.region"() ({
      %run_scoped3A = tpu.sem_alloc : memref<!tpu.dma_semaphore, #tpu.memory_space<semaphore_mem>>
      %dma_start3A_283 = arith.constant 0 : i32
      %dma_start3A_284 = tpu.memref_slice %arg9[%mul3A_28, %dma_start3A_283] : memref<10112x128xf32, #tpu.memory_space<vmem_shared>> -> memref<632x128xf32, #tpu.memory_space<vmem_shared>>
      tpu.enqueue_dma source(%arg5 : memref<632x128xf32, #tpu.memory_space<hbm>>) target(%dma_start3A_284 : memref<632x128xf32, #tpu.memory_space<vmem_shared>>) target_semaphore(%run_scoped3A : memref<!tpu.dma_semaphore, #tpu.memory_space<semaphore_mem>>)
      %dma_wait3A_285 = arith.constant 0 : i32
      %dma_wait3A_286 = tpu.memref_slice %arg9[%mul3A_28, %dma_wait3A_285] : memref<10112x128xf32, #tpu.memory_space<vmem_shared>> -> memref<632x128xf32, #tpu.memory_space<vmem_shared>>
      tpu.wait_dma2 semaphore(%run_scoped3A : memref<!tpu.dma_semaphore, #tpu.memory_space<semaphore_mem>>) src(%arg5 : memref<632x128xf32, #tpu.memory_space<hbm>>) dst(%dma_wait3A_286 : memref<632x128xf32, #tpu.memory_space<vmem_shared>>)
      tpu.yield
    }) : () -> ()
    %barrier3A = arith.constant 0 : index
    tpu.barrier barrier_id(%barrier3A)
    %add3A_29 = arith.constant 0 : i32
    %add3A_30 = arith.addi %select_n3A, %add3A_29 : i32
    %dma_start3A = arith.constant 0 : i32
    %dma_start3A_31 = arith.constant 0 : i32
    %dma_start3A_32 = arith.constant 0 : i32
    %dma_start3A_33 = tpu.memref_slice %arg7[%dma_start3A, %dma_start3A_31, %dma_start3A_32] : memref<2x2x128xi32, #tpu.memory_space<vmem>> -> memref<1x1x128xi32, #tpu.memory_space<vmem>>
    %dma_start3A_34 = tpu.memref_squeeze %dma_start3A_33 : memref<1x1x128xi32, #tpu.memory_space<vmem>> -> memref<128xi32, #tpu.memory_space<vmem>>
    %dma_start3A_35 = arith.constant 0 : i32
    %dma_start3A_36 = tpu.memref_slice %arg3[%add3A_30, %dma_start3A_35] : memref<2560x128xi32, #tpu.memory_space<hbm>> -> memref<1x128xi32, #tpu.memory_space<hbm>>
    %dma_start3A_37 = tpu.memref_squeeze %dma_start3A_36 : memref<1x128xi32, #tpu.memory_space<hbm>> -> memref<128xi32, #tpu.memory_space<hbm>>
    %dma_start3A_38 = arith.constant 0 : i32
    %dma_start3A_39 = tpu.memref_slice %arg7[%dma_start3A, %dma_start3A_31, %dma_start3A_38] : memref<2x2x128xi32, #tpu.memory_space<vmem>> -> memref<1x1x128xi32, #tpu.memory_space<vmem>>
    %dma_start3A_40 = tpu.memref_squeeze %dma_start3A_39 : memref<1x1x128xi32, #tpu.memory_space<vmem>> -> memref<128xi32, #tpu.memory_space<vmem>>
    %dma_start3A_41 = arith.constant 0 : i32
    %dma_start3A_42 = tpu.memref_slice %arg3[%add3A_30, %dma_start3A_41] : memref<2560x128xi32, #tpu.memory_space<hbm>> -> memref<1x128xi32, #tpu.memory_space<hbm>>
    %dma_start3A_43 = tpu.memref_squeeze %dma_start3A_42 : memref<1x128xi32, #tpu.memory_space<hbm>> -> memref<128xi32, #tpu.memory_space<hbm>>
    tpu.enqueue_dma source(%dma_start3A_43 : memref<128xi32, #tpu.memory_space<hbm>>) target(%dma_start3A_40 : memref<128xi32, #tpu.memory_space<vmem>>) target_semaphore(%arg10 : memref<!tpu.dma_semaphore, #tpu.memory_space<semaphore_mem>>)
    %add3A_44 = arith.constant 0 : i32
    %add3A_45 = arith.addi %select_n3A, %add3A_44 : i32
    %dma_start3A_46 = arith.constant 0 : i32
    %dma_start3A_47 = arith.constant 1 : i32
    %dma_start3A_48 = arith.constant 0 : i32
    %dma_start3A_49 = tpu.memref_slice %arg7[%dma_start3A_46, %dma_start3A_47, %dma_start3A_48] : memref<2x2x128xi32, #tpu.memory_space<vmem>> -> memref<1x1x128xi32, #tpu.memory_space<vmem>>
    %dma_start3A_50 = tpu.memref_squeeze %dma_start3A_49 : memref<1x1x128xi32, #tpu.memory_space<vmem>> -> memref<128xi32, #tpu.memory_space<vmem>>
    %dma_start3A_51 = arith.constant 0 : i32
    %dma_start3A_52 = tpu.memref_slice %arg4[%add3A_45, %dma_start3A_51] : memref<2560x128xi32, #tpu.memory_space<hbm>> -> memref<1x128xi32, #tpu.memory_space<hbm>>
    %dma_start3A_53 = tpu.memref_squeeze %dma_start3A_52 : memref<1x128xi32, #tpu.memory_space<hbm>> -> memref<128xi32, #tpu.memory_space<hbm>>
    %dma_start3A_54 = arith.constant 0 : i32
    %dma_start3A_55 = tpu.memref_slice %arg7[%dma_start3A_46, %dma_start3A_47, %dma_start3A_54] : memref<2x2x128xi32, #tpu.memory_space<vmem>> -> memref<1x1x128xi32, #tpu.memory_space<vmem>>
    %dma_start3A_56 = tpu.memref_squeeze %dma_start3A_55 : memref<1x1x128xi32, #tpu.memory_space<vmem>> -> memref<128xi32, #tpu.memory_space<vmem>>
    %dma_start3A_57 = arith.constant 0 : i32
    %dma_start3A_58 = tpu.memref_slice %arg4[%add3A_45, %dma_start3A_57] : memref<2560x128xi32, #tpu.memory_space<hbm>> -> memref<1x128xi32, #tpu.memory_space<hbm>>
    %dma_start3A_59 = tpu.memref_squeeze %dma_start3A_58 : memref<1x128xi32, #tpu.memory_space<hbm>> -> memref<128xi32, #tpu.memory_space<hbm>>
    tpu.enqueue_dma source(%dma_start3A_59 : memref<128xi32, #tpu.memory_space<hbm>>) target(%dma_start3A_56 : memref<128xi32, #tpu.memory_space<vmem>>) target_semaphore(%arg10 : memref<!tpu.dma_semaphore, #tpu.memory_space<semaphore_mem>>)
    %add3A_60 = arith.constant 1 : i32
    %add3A_61 = arith.addi %select_n3A, %add3A_60 : i32
    %dma_start3A_62 = arith.constant 1 : i32
    %dma_start3A_63 = arith.constant 0 : i32
    %dma_start3A_64 = arith.constant 0 : i32
    %dma_start3A_65 = tpu.memref_slice %arg7[%dma_start3A_62, %dma_start3A_63, %dma_start3A_64] : memref<2x2x128xi32, #tpu.memory_space<vmem>> -> memref<1x1x128xi32, #tpu.memory_space<vmem>>
    %dma_start3A_66 = tpu.memref_squeeze %dma_start3A_65 : memref<1x1x128xi32, #tpu.memory_space<vmem>> -> memref<128xi32, #tpu.memory_space<vmem>>
    %dma_start3A_67 = arith.constant 0 : i32
    %dma_start3A_68 = tpu.memref_slice %arg3[%add3A_61, %dma_start3A_67] : memref<2560x128xi32, #tpu.memory_space<hbm>> -> memref<1x128xi32, #tpu.memory_space<hbm>>
    %dma_start3A_69 = tpu.memref_squeeze %dma_start3A_68 : memref<1x128xi32, #tpu.memory_space<hbm>> -> memref<128xi32, #tpu.memory_space<hbm>>
    %dma_start3A_70 = arith.constant 0 : i32
    %dma_start3A_71 = tpu.memref_slice %arg7[%dma_start3A_62, %dma_start3A_63, %dma_start3A_70] : memref<2x2x128xi32, #tpu.memory_space<vmem>> -> memref<1x1x128xi32, #tpu.memory_space<vmem>>
    %dma_start3A_72 = tpu.memref_squeeze %dma_start3A_71 : memref<1x1x128xi32, #tpu.memory_space<vmem>> -> memref<128xi32, #tpu.memory_space<vmem>>
    %dma_start3A_73 = arith.constant 0 : i32
    %dma_start3A_74 = tpu.memref_slice %arg3[%add3A_61, %dma_start3A_73] : memref<2560x128xi32, #tpu.memory_space<hbm>> -> memref<1x128xi32, #tpu.memory_space<hbm>>
    %dma_start3A_75 = tpu.memref_squeeze %dma_start3A_74 : memref<1x128xi32, #tpu.memory_space<hbm>> -> memref<128xi32, #tpu.memory_space<hbm>>
    tpu.enqueue_dma source(%dma_start3A_75 : memref<128xi32, #tpu.memory_space<hbm>>) target(%dma_start3A_72 : memref<128xi32, #tpu.memory_space<vmem>>) target_semaphore(%arg11 : memref<!tpu.dma_semaphore, #tpu.memory_space<semaphore_mem>>)
    %add3A_76 = arith.constant 1 : i32
    %add3A_77 = arith.addi %select_n3A, %add3A_76 : i32
    %dma_start3A_78 = arith.constant 1 : i32
    %dma_start3A_79 = arith.constant 1 : i32
    %dma_start3A_80 = arith.constant 0 : i32
    %dma_start3A_81 = tpu.memref_slice %arg7[%dma_start3A_78, %dma_start3A_79, %dma_start3A_80] : memref<2x2x128xi32, #tpu.memory_space<vmem>> -> memref<1x1x128xi32, #tpu.memory_space<vmem>>
    %dma_start3A_82 = tpu.memref_squeeze %dma_start3A_81 : memref<1x1x128xi32, #tpu.memory_space<vmem>> -> memref<128xi32, #tpu.memory_space<vmem>>
    %dma_start3A_83 = arith.constant 0 : i32
    %dma_start3A_84 = tpu.memref_slice %arg4[%add3A_77, %dma_start3A_83] : memref<2560x128xi32, #tpu.memory_space<hbm>> -> memref<1x128xi32, #tpu.memory_space<hbm>>
    %dma_start3A_85 = tpu.memref_squeeze %dma_start3A_84 : memref<1x128xi32, #tpu.memory_space<hbm>> -> memref<128xi32, #tpu.memory_space<hbm>>
    %dma_start3A_86 = arith.constant 0 : i32
    %dma_start3A_87 = tpu.memref_slice %arg7[%dma_start3A_78, %dma_start3A_79, %dma_start3A_86] : memref<2x2x128xi32, #tpu.memory_space<vmem>> -> memref<1x1x128xi32, #tpu.memory_space<vmem>>
    %dma_start3A_88 = tpu.memref_squeeze %dma_start3A_87 : memref<1x1x128xi32, #tpu.memory_space<vmem>> -> memref<128xi32, #tpu.memory_space<vmem>>
    %dma_start3A_89 = arith.constant 0 : i32
    %dma_start3A_90 = tpu.memref_slice %arg4[%add3A_77, %dma_start3A_89] : memref<2560x128xi32, #tpu.memory_space<hbm>> -> memref<1x128xi32, #tpu.memory_space<hbm>>
    %dma_start3A_91 = tpu.memref_squeeze %dma_start3A_90 : memref<1x128xi32, #tpu.memory_space<hbm>> -> memref<128xi32, #tpu.memory_space<hbm>>
    tpu.enqueue_dma source(%dma_start3A_91 : memref<128xi32, #tpu.memory_space<hbm>>) target(%dma_start3A_88 : memref<128xi32, #tpu.memory_space<vmem>>) target_semaphore(%arg11 : memref<!tpu.dma_semaphore, #tpu.memory_space<semaphore_mem>>)
    %add3A_92 = arith.constant 0 : i32
    %add3A_93 = arith.addi %select_n3A, %add3A_92 : i32
    %dma_wait3A = arith.constant 0 : i32
    %dma_wait3A_94 = arith.constant 0 : i32
    %dma_wait3A_95 = arith.constant 0 : i32
    %dma_wait3A_96 = tpu.memref_slice %arg7[%dma_wait3A, %dma_wait3A_94, %dma_wait3A_95] : memref<2x2x128xi32, #tpu.memory_space<vmem>> -> memref<1x1x128xi32, #tpu.memory_space<vmem>>
    %dma_wait3A_97 = tpu.memref_squeeze %dma_wait3A_96 : memref<1x1x128xi32, #tpu.memory_space<vmem>> -> memref<128xi32, #tpu.memory_space<vmem>>
    %dma_wait3A_98 = arith.constant 0 : i32
    %dma_wait3A_99 = tpu.memref_slice %arg3[%add3A_93, %dma_wait3A_98] : memref<2560x128xi32, #tpu.memory_space<hbm>> -> memref<1x128xi32, #tpu.memory_space<hbm>>
    %dma_wait3A_100 = tpu.memref_squeeze %dma_wait3A_99 : memref<1x128xi32, #tpu.memory_space<hbm>> -> memref<128xi32, #tpu.memory_space<hbm>>
    %dma_wait3A_101 = arith.constant 0 : i32
    %dma_wait3A_102 = tpu.memref_slice %arg7[%dma_wait3A, %dma_wait3A_94, %dma_wait3A_101] : memref<2x2x128xi32, #tpu.memory_space<vmem>> -> memref<1x1x128xi32, #tpu.memory_space<vmem>>
    %dma_wait3A_103 = tpu.memref_squeeze %dma_wait3A_102 : memref<1x1x128xi32, #tpu.memory_space<vmem>> -> memref<128xi32, #tpu.memory_space<vmem>>
    %dma_wait3A_104 = arith.constant 0 : i32
    %dma_wait3A_105 = tpu.memref_slice %arg3[%add3A_93, %dma_wait3A_104] : memref<2560x128xi32, #tpu.memory_space<hbm>> -> memref<1x128xi32, #tpu.memory_space<hbm>>
    %dma_wait3A_106 = tpu.memref_squeeze %dma_wait3A_105 : memref<1x128xi32, #tpu.memory_space<hbm>> -> memref<128xi32, #tpu.memory_space<hbm>>
    tpu.wait_dma2 semaphore(%arg10 : memref<!tpu.dma_semaphore, #tpu.memory_space<semaphore_mem>>) src(%dma_wait3A_106 : memref<128xi32, #tpu.memory_space<hbm>>) dst(%dma_wait3A_103 : memref<128xi32, #tpu.memory_space<vmem>>)
    %add3A_107 = arith.constant 0 : i32
    %add3A_108 = arith.addi %select_n3A, %add3A_107 : i32
    %dma_wait3A_109 = arith.constant 0 : i32
    %dma_wait3A_110 = arith.constant 1 : i32
    %dma_wait3A_111 = arith.constant 0 : i32
    %dma_wait3A_112 = tpu.memref_slice %arg7[%dma_wait3A_109, %dma_wait3A_110, %dma_wait3A_111] : memref<2x2x128xi32, #tpu.memory_space<vmem>> -> memref<1x1x128xi32, #tpu.memory_space<vmem>>
    %dma_wait3A_113 = tpu.memref_squeeze %dma_wait3A_112 : memref<1x1x128xi32, #tpu.memory_space<vmem>> -> memref<128xi32, #tpu.memory_space<vmem>>
    %dma_wait3A_114 = arith.constant 0 : i32
    %dma_wait3A_115 = tpu.memref_slice %arg4[%add3A_108, %dma_wait3A_114] : memref<2560x128xi32, #tpu.memory_space<hbm>> -> memref<1x128xi32, #tpu.memory_space<hbm>>
    %dma_wait3A_116 = tpu.memref_squeeze %dma_wait3A_115 : memref<1x128xi32, #tpu.memory_space<hbm>> -> memref<128xi32, #tpu.memory_space<hbm>>
    %dma_wait3A_117 = arith.constant 0 : i32
    %dma_wait3A_118 = tpu.memref_slice %arg7[%dma_wait3A_109, %dma_wait3A_110, %dma_wait3A_117] : memref<2x2x128xi32, #tpu.memory_space<vmem>> -> memref<1x1x128xi32, #tpu.memory_space<vmem>>
    %dma_wait3A_119 = tpu.memref_squeeze %dma_wait3A_118 : memref<1x1x128xi32, #tpu.memory_space<vmem>> -> memref<128xi32, #tpu.memory_space<vmem>>
    %dma_wait3A_120 = arith.constant 0 : i32
    %dma_wait3A_121 = tpu.memref_slice %arg4[%add3A_108, %dma_wait3A_120] : memref<2560x128xi32, #tpu.memory_space<hbm>> -> memref<1x128xi32, #tpu.memory_space<hbm>>
    %dma_wait3A_122 = tpu.memref_squeeze %dma_wait3A_121 : memref<1x128xi32, #tpu.memory_space<hbm>> -> memref<128xi32, #tpu.memory_space<hbm>>
    tpu.wait_dma2 semaphore(%arg10 : memref<!tpu.dma_semaphore, #tpu.memory_space<semaphore_mem>>) src(%dma_wait3A_122 : memref<128xi32, #tpu.memory_space<hbm>>) dst(%dma_wait3A_119 : memref<128xi32, #tpu.memory_space<vmem>>)
    %dma_start3A_123 = arith.constant 0 : i32
    %dma_start3A_124 = arith.constant 0 : i32
    %dma_start3A_125 = arith.constant 0 : i32
    %dma_start3A_126 = arith.constant 0 : i32
    %dma_start3A_127 = arith.constant 0 : i32
    %dma_start3A_128 = tpu.memref_slice %arg8[%dma_start3A_125, %dma_start3A_126, %dma_start3A_127] : memref<2x128x128xf32, #tpu.memory_space<vmem>> -> memref<1x128x128xf32, #tpu.memory_space<vmem>>
    %dma_start3A_129 = tpu.memref_squeeze %dma_start3A_128 : memref<1x128x128xf32, #tpu.memory_space<vmem>> -> memref<128x128xf32, #tpu.memory_space<vmem>>
    %dma_start3A_130 = arith.constant 0 : i32
    %dma_start3A_131 = tpu.memref_slice %arg7[%dma_start3A_123, %dma_start3A_124, %dma_start3A_130] : memref<2x2x128xi32, #tpu.memory_space<vmem>> -> memref<1x1x128xi32, #tpu.memory_space<vmem>>
    %dma_start3A_132 = tpu.memref_squeeze %dma_start3A_131 : memref<1x1x128xi32, #tpu.memory_space<vmem>> -> memref<128xi32, #tpu.memory_space<vmem>>
    %dma_start3A_133 = arith.constant 0 : i32
    %dma_start3A_134 = arith.constant 0 : i32
    %dma_start3A_135 = tpu.memref_slice %arg2[%dma_start3A_133, %dma_start3A_134] : memref<270000x128xf32, #tpu.memory_space<hbm>> -> memref<270000x128xf32, #tpu.memory_space<hbm>>
    tpu.enqueue_indirect_dma source(%dma_start3A_135 : memref<270000x128xf32, #tpu.memory_space<hbm>>) target(%dma_start3A_129 : memref<128x128xf32, #tpu.memory_space<vmem>>) offsets(%dma_start3A_132 : memref<128xi32, #tpu.memory_space<vmem>>) semaphore(%arg12 : memref<!tpu.dma_semaphore, #tpu.memory_space<semaphore_mem>>)
    %sub3A_136 = arith.constant 1 : i32
    %sub3A_137 = arith.subi %select_n3A_26, %sub3A_136 : i32
    %while3A = arith.constant 0 : i32
    %while3A_138 = arith.constant 0 : i32
    %while3A_139 = arith.subi %sub3A_137, %while3A_138 : i32
    %while3A_140 = arith.addi %while3A_138, %while3A_139 : i32
    %while3A_141 = arith.constant 1 : i32
    %while3A_142 = arith.divsi %while3A_139, %while3A_141 : i32
    %while3A_143 = arith.muli %while3A_142, %while3A_141 : i32
    %while3A_144 = arith.addi %while3A_138, %while3A_143 : i32
    %while3A_145 = arith.constant 1 : i32
    scf.for %while3A_283 = %while3A_138 to %while3A_144 step %while3A_145  : i32 {
      %mul3A_284 = arith.constant 2 : i32
      %mul3A_285 = arith.muli %while3A_283, %mul3A_284 : i32
      %add3A_286 = arith.constant 1 : i32
      %add3A_287 = arith.addi %mul3A_285, %add3A_286 : i32
      %add3A_288 = arith.addi %select_n3A, %add3A_287 : i32
      %dma_wait3A_289 = arith.constant 1 : i32
      %dma_wait3A_290 = arith.constant 0 : i32
      %dma_wait3A_291 = arith.constant 0 : i32
      %dma_wait3A_292 = tpu.memref_slice %arg7[%dma_wait3A_289, %dma_wait3A_290, %dma_wait3A_291] : memref<2x2x128xi32, #tpu.memory_space<vmem>> -> memref<1x1x128xi32, #tpu.memory_space<vmem>>
      %dma_wait3A_293 = tpu.memref_squeeze %dma_wait3A_292 : memref<1x1x128xi32, #tpu.memory_space<vmem>> -> memref<128xi32, #tpu.memory_space<vmem>>
      %dma_wait3A_294 = arith.constant 0 : i32
      %dma_wait3A_295 = tpu.memref_slice %arg3[%add3A_288, %dma_wait3A_294] : memref<2560x128xi32, #tpu.memory_space<hbm>> -> memref<1x128xi32, #tpu.memory_space<hbm>>
      %dma_wait3A_296 = tpu.memref_squeeze %dma_wait3A_295 : memref<1x128xi32, #tpu.memory_space<hbm>> -> memref<128xi32, #tpu.memory_space<hbm>>
      %dma_wait3A_297 = arith.constant 0 : i32
      %dma_wait3A_298 = tpu.memref_slice %arg7[%dma_wait3A_289, %dma_wait3A_290, %dma_wait3A_297] : memref<2x2x128xi32, #tpu.memory_space<vmem>> -> memref<1x1x128xi32, #tpu.memory_space<vmem>>
      %dma_wait3A_299 = tpu.memref_squeeze %dma_wait3A_298 : memref<1x1x128xi32, #tpu.memory_space<vmem>> -> memref<128xi32, #tpu.memory_space<vmem>>
      %dma_wait3A_300 = arith.constant 0 : i32
      %dma_wait3A_301 = tpu.memref_slice %arg3[%add3A_288, %dma_wait3A_300] : memref<2560x128xi32, #tpu.memory_space<hbm>> -> memref<1x128xi32, #tpu.memory_space<hbm>>
      %dma_wait3A_302 = tpu.memref_squeeze %dma_wait3A_301 : memref<1x128xi32, #tpu.memory_space<hbm>> -> memref<128xi32, #tpu.memory_space<hbm>>
      tpu.wait_dma2 semaphore(%arg11 : memref<!tpu.dma_semaphore, #tpu.memory_space<semaphore_mem>>) src(%dma_wait3A_302 : memref<128xi32, #tpu.memory_space<hbm>>) dst(%dma_wait3A_299 : memref<128xi32, #tpu.memory_space<vmem>>)
      %add3A_303 = arith.addi %select_n3A, %add3A_287 : i32
      %dma_wait3A_304 = arith.constant 1 : i32
      %dma_wait3A_305 = arith.constant 1 : i32
      %dma_wait3A_306 = arith.constant 0 : i32
      %dma_wait3A_307 = tpu.memref_slice %arg7[%dma_wait3A_304, %dma_wait3A_305, %dma_wait3A_306] : memref<2x2x128xi32, #tpu.memory_space<vmem>> -> memref<1x1x128xi32, #tpu.memory_space<vmem>>
      %dma_wait3A_308 = tpu.memref_squeeze %dma_wait3A_307 : memref<1x1x128xi32, #tpu.memory_space<vmem>> -> memref<128xi32, #tpu.memory_space<vmem>>
      %dma_wait3A_309 = arith.constant 0 : i32
      %dma_wait3A_310 = tpu.memref_slice %arg4[%add3A_303, %dma_wait3A_309] : memref<2560x128xi32, #tpu.memory_space<hbm>> -> memref<1x128xi32, #tpu.memory_space<hbm>>
      %dma_wait3A_311 = tpu.memref_squeeze %dma_wait3A_310 : memref<1x128xi32, #tpu.memory_space<hbm>> -> memref<128xi32, #tpu.memory_space<hbm>>
      %dma_wait3A_312 = arith.constant 0 : i32
      %dma_wait3A_313 = tpu.memref_slice %arg7[%dma_wait3A_304, %dma_wait3A_305, %dma_wait3A_312] : memref<2x2x128xi32, #tpu.memory_space<vmem>> -> memref<1x1x128xi32, #tpu.memory_space<vmem>>
      %dma_wait3A_314 = tpu.memref_squeeze %dma_wait3A_313 : memref<1x1x128xi32, #tpu.memory_space<vmem>> -> memref<128xi32, #tpu.memory_space<vmem>>
      %dma_wait3A_315 = arith.constant 0 : i32
      %dma_wait3A_316 = tpu.memref_slice %arg4[%add3A_303, %dma_wait3A_315] : memref<2560x128xi32, #tpu.memory_space<hbm>> -> memref<1x128xi32, #tpu.memory_space<hbm>>
      %dma_wait3A_317 = tpu.memref_squeeze %dma_wait3A_316 : memref<1x128xi32, #tpu.memory_space<hbm>> -> memref<128xi32, #tpu.memory_space<hbm>>
      tpu.wait_dma2 semaphore(%arg11 : memref<!tpu.dma_semaphore, #tpu.memory_space<semaphore_mem>>) src(%dma_wait3A_317 : memref<128xi32, #tpu.memory_space<hbm>>) dst(%dma_wait3A_314 : memref<128xi32, #tpu.memory_space<vmem>>)
      %add3A_318 = arith.constant 1 : i32
      %add3A_319 = arith.addi %mul3A_285, %add3A_318 : i32
      %dma_start3A_320 = arith.constant 1 : i32
      %dma_start3A_321 = arith.constant 0 : i32
      %dma_start3A_322 = arith.constant 1 : i32
      %dma_start3A_323 = arith.constant 0 : i32
      %dma_start3A_324 = arith.constant 0 : i32
      %dma_start3A_325 = tpu.memref_slice %arg8[%dma_start3A_322, %dma_start3A_323, %dma_start3A_324] : memref<2x128x128xf32, #tpu.memory_space<vmem>> -> memref<1x128x128xf32, #tpu.memory_space<vmem>>
      %dma_start3A_326 = tpu.memref_squeeze %dma_start3A_325 : memref<1x128x128xf32, #tpu.memory_space<vmem>> -> memref<128x128xf32, #tpu.memory_space<vmem>>
      %dma_start3A_327 = arith.constant 0 : i32
      %dma_start3A_328 = tpu.memref_slice %arg7[%dma_start3A_320, %dma_start3A_321, %dma_start3A_327] : memref<2x2x128xi32, #tpu.memory_space<vmem>> -> memref<1x1x128xi32, #tpu.memory_space<vmem>>
      %dma_start3A_329 = tpu.memref_squeeze %dma_start3A_328 : memref<1x1x128xi32, #tpu.memory_space<vmem>> -> memref<128xi32, #tpu.memory_space<vmem>>
      %dma_start3A_330 = arith.constant 0 : i32
      %dma_start3A_331 = arith.constant 0 : i32
      %dma_start3A_332 = tpu.memref_slice %arg2[%dma_start3A_330, %dma_start3A_331] : memref<270000x128xf32, #tpu.memory_space<hbm>> -> memref<270000x128xf32, #tpu.memory_space<hbm>>
      tpu.enqueue_indirect_dma source(%dma_start3A_332 : memref<270000x128xf32, #tpu.memory_space<hbm>>) target(%dma_start3A_326 : memref<128x128xf32, #tpu.memory_space<vmem>>) offsets(%dma_start3A_329 : memref<128xi32, #tpu.memory_space<vmem>>) semaphore(%arg13 : memref<!tpu.dma_semaphore, #tpu.memory_space<semaphore_mem>>)
      %dma_wait3A_333 = arith.constant 0 : i32
      %dma_wait3A_334 = arith.constant 0 : i32
      %dma_wait3A_335 = arith.constant 0 : i32
      %dma_wait3A_336 = arith.constant 0 : i32
      %dma_wait3A_337 = arith.constant 0 : i32
      %dma_wait3A_338 = tpu.memref_slice %arg8[%dma_wait3A_335, %dma_wait3A_336, %dma_wait3A_337] : memref<2x128x128xf32, #tpu.memory_space<vmem>> -> memref<1x128x128xf32, #tpu.memory_space<vmem>>
      %dma_wait3A_339 = tpu.memref_squeeze %dma_wait3A_338 : memref<1x128x128xf32, #tpu.memory_space<vmem>> -> memref<128x128xf32, #tpu.memory_space<vmem>>
      %dma_wait3A_340 = arith.constant 0 : i32
      %dma_wait3A_341 = tpu.memref_slice %arg7[%dma_wait3A_333, %dma_wait3A_334, %dma_wait3A_340] : memref<2x2x128xi32, #tpu.memory_space<vmem>> -> memref<1x1x128xi32, #tpu.memory_space<vmem>>
      %dma_wait3A_342 = tpu.memref_squeeze %dma_wait3A_341 : memref<1x1x128xi32, #tpu.memory_space<vmem>> -> memref<128xi32, #tpu.memory_space<vmem>>
      %dma_wait3A_343 = arith.constant 0 : i32
      %dma_wait3A_344 = arith.constant 0 : i32
      %dma_wait3A_345 = tpu.memref_slice %arg2[%dma_wait3A_343, %dma_wait3A_344] : memref<270000x128xf32, #tpu.memory_space<hbm>> -> memref<270000x128xf32, #tpu.memory_space<hbm>>
      tpu.wait_indirect_dma semaphore(%arg12 : memref<!tpu.dma_semaphore, #tpu.memory_space<semaphore_mem>>) src(%dma_wait3A_345 : memref<270000x128xf32, #tpu.memory_space<hbm>>) dst(%dma_wait3A_339 : memref<128x128xf32, #tpu.memory_space<vmem>>)
      %dma_start3A_346 = arith.constant 0 : i32
      %dma_start3A_347 = arith.constant 0 : i32
      %dma_start3A_348 = arith.constant 1 : i32
      %dma_start3A_349 = arith.constant 0 : i32
      %dma_start3A_350 = arith.constant 0 : i32
      %dma_start3A_351 = tpu.memref_slice %arg8[%dma_start3A_346, %dma_start3A_349, %dma_start3A_350] : memref<2x128x128xf32, #tpu.memory_space<vmem>> -> memref<1x128x128xf32, #tpu.memory_space<vmem>>
      %dma_start3A_352 = tpu.memref_squeeze %dma_start3A_351 : memref<1x128x128xf32, #tpu.memory_space<vmem>> -> memref<128x128xf32, #tpu.memory_space<vmem>>
      %dma_start3A_353 = arith.constant 0 : i32
      %dma_start3A_354 = tpu.memref_slice %arg7[%dma_start3A_347, %dma_start3A_348, %dma_start3A_353] : memref<2x2x128xi32, #tpu.memory_space<vmem>> -> memref<1x1x128xi32, #tpu.memory_space<vmem>>
      %dma_start3A_355 = tpu.memref_squeeze %dma_start3A_354 : memref<1x1x128xi32, #tpu.memory_space<vmem>> -> memref<128xi32, #tpu.memory_space<vmem>>
      %dma_start3A_356 = arith.constant 0 : i32
      %dma_start3A_357 = arith.constant 0 : i32
      %dma_start3A_358 = tpu.memref_slice %arg9[%dma_start3A_356, %dma_start3A_357] : memref<10112x128xf32, #tpu.memory_space<vmem_shared>> -> memref<10112x128xf32, #tpu.memory_space<vmem_shared>>
      tpu.enqueue_indirect_dma source(%dma_start3A_352 : memref<128x128xf32, #tpu.memory_space<vmem>>) target(%dma_start3A_358 : memref<10112x128xf32, #tpu.memory_space<vmem_shared>>) offsets(%dma_start3A_355 : memref<128xi32, #tpu.memory_space<vmem>>) semaphore(%arg14 : memref<!tpu.dma_semaphore, #tpu.memory_space<semaphore_mem>>) {add = true}
      %dma_wait3A_359 = arith.constant 0 : i32
      %dma_wait3A_360 = arith.constant 0 : i32
      %dma_wait3A_361 = arith.constant 1 : i32
      %dma_wait3A_362 = arith.constant 0 : i32
      %dma_wait3A_363 = arith.constant 0 : i32
      %dma_wait3A_364 = tpu.memref_slice %arg8[%dma_wait3A_359, %dma_wait3A_362, %dma_wait3A_363] : memref<2x128x128xf32, #tpu.memory_space<vmem>> -> memref<1x128x128xf32, #tpu.memory_space<vmem>>
      %dma_wait3A_365 = tpu.memref_squeeze %dma_wait3A_364 : memref<1x128x128xf32, #tpu.memory_space<vmem>> -> memref<128x128xf32, #tpu.memory_space<vmem>>
      %dma_wait3A_366 = arith.constant 0 : i32
      %dma_wait3A_367 = tpu.memref_slice %arg7[%dma_wait3A_360, %dma_wait3A_361, %dma_wait3A_366] : memref<2x2x128xi32, #tpu.memory_space<vmem>> -> memref<1x1x128xi32, #tpu.memory_space<vmem>>
      %dma_wait3A_368 = tpu.memref_squeeze %dma_wait3A_367 : memref<1x1x128xi32, #tpu.memory_space<vmem>> -> memref<128xi32, #tpu.memory_space<vmem>>
      %dma_wait3A_369 = arith.constant 0 : i32
      %dma_wait3A_370 = arith.constant 0 : i32
      %dma_wait3A_371 = tpu.memref_slice %arg9[%dma_wait3A_369, %dma_wait3A_370] : memref<10112x128xf32, #tpu.memory_space<vmem_shared>> -> memref<10112x128xf32, #tpu.memory_space<vmem_shared>>
      tpu.wait_indirect_dma semaphore(%arg14 : memref<!tpu.dma_semaphore, #tpu.memory_space<semaphore_mem>>) src(%dma_wait3A_365 : memref<128x128xf32, #tpu.memory_space<vmem>>) dst(%dma_wait3A_371 : memref<10112x128xf32, #tpu.memory_space<vmem_shared>>)
      %add3A_372 = arith.constant 2 : i32
      %add3A_373 = arith.addi %mul3A_285, %add3A_372 : i32
      %add3A_374 = arith.addi %select_n3A, %add3A_373 : i32
      %dma_start3A_375 = arith.constant 0 : i32
      %dma_start3A_376 = arith.constant 0 : i32
      %dma_start3A_377 = arith.constant 0 : i32
      %dma_start3A_378 = tpu.memref_slice %arg7[%dma_start3A_375, %dma_start3A_376, %dma_start3A_377] : memref<2x2x128xi32, #tpu.memory_space<vmem>> -> memref<1x1x128xi32, #tpu.memory_space<vmem>>
      %dma_start3A_379 = tpu.memref_squeeze %dma_start3A_378 : memref<1x1x128xi32, #tpu.memory_space<vmem>> -> memref<128xi32, #tpu.memory_space<vmem>>
      %dma_start3A_380 = arith.constant 0 : i32
      %dma_start3A_381 = tpu.memref_slice %arg3[%add3A_374, %dma_start3A_380] : memref<2560x128xi32, #tpu.memory_space<hbm>> -> memref<1x128xi32, #tpu.memory_space<hbm>>
      %dma_start3A_382 = tpu.memref_squeeze %dma_start3A_381 : memref<1x128xi32, #tpu.memory_space<hbm>> -> memref<128xi32, #tpu.memory_space<hbm>>
      %dma_start3A_383 = arith.constant 0 : i32
      %dma_start3A_384 = tpu.memref_slice %arg7[%dma_start3A_375, %dma_start3A_376, %dma_start3A_383] : memref<2x2x128xi32, #tpu.memory_space<vmem>> -> memref<1x1x128xi32, #tpu.memory_space<vmem>>
      %dma_start3A_385 = tpu.memref_squeeze %dma_start3A_384 : memref<1x1x128xi32, #tpu.memory_space<vmem>> -> memref<128xi32, #tpu.memory_space<vmem>>
      %dma_start3A_386 = arith.constant 0 : i32
      %dma_start3A_387 = tpu.memref_slice %arg3[%add3A_374, %dma_start3A_386] : memref<2560x128xi32, #tpu.memory_space<hbm>> -> memref<1x128xi32, #tpu.memory_space<hbm>>
      %dma_start3A_388 = tpu.memref_squeeze %dma_start3A_387 : memref<1x128xi32, #tpu.memory_space<hbm>> -> memref<128xi32, #tpu.memory_space<hbm>>
      tpu.enqueue_dma source(%dma_start3A_388 : memref<128xi32, #tpu.memory_space<hbm>>) target(%dma_start3A_385 : memref<128xi32, #tpu.memory_space<vmem>>) target_semaphore(%arg10 : memref<!tpu.dma_semaphore, #tpu.memory_space<semaphore_mem>>)
      %add3A_389 = arith.addi %select_n3A, %add3A_373 : i32
      %dma_start3A_390 = arith.constant 0 : i32
      %dma_start3A_391 = arith.constant 1 : i32
      %dma_start3A_392 = arith.constant 0 : i32
      %dma_start3A_393 = tpu.memref_slice %arg7[%dma_start3A_390, %dma_start3A_391, %dma_start3A_392] : memref<2x2x128xi32, #tpu.memory_space<vmem>> -> memref<1x1x128xi32, #tpu.memory_space<vmem>>
      %dma_start3A_394 = tpu.memref_squeeze %dma_start3A_393 : memref<1x1x128xi32, #tpu.memory_space<vmem>> -> memref<128xi32, #tpu.memory_space<vmem>>
      %dma_start3A_395 = arith.constant 0 : i32
      %dma_start3A_396 = tpu.memref_slice %arg4[%add3A_389, %dma_start3A_395] : memref<2560x128xi32, #tpu.memory_space<hbm>> -> memref<1x128xi32, #tpu.memory_space<hbm>>
      %dma_start3A_397 = tpu.memref_squeeze %dma_start3A_396 : memref<1x128xi32, #tpu.memory_space<hbm>> -> memref<128xi32, #tpu.memory_space<hbm>>
      %dma_start3A_398 = arith.constant 0 : i32
      %dma_start3A_399 = tpu.memref_slice %arg7[%dma_start3A_390, %dma_start3A_391, %dma_start3A_398] : memref<2x2x128xi32, #tpu.memory_space<vmem>> -> memref<1x1x128xi32, #tpu.memory_space<vmem>>
      %dma_start3A_400 = tpu.memref_squeeze %dma_start3A_399 : memref<1x1x128xi32, #tpu.memory_space<vmem>> -> memref<128xi32, #tpu.memory_space<vmem>>
      %dma_start3A_401 = arith.constant 0 : i32
      %dma_start3A_402 = tpu.memref_slice %arg4[%add3A_389, %dma_start3A_401] : memref<2560x128xi32, #tpu.memory_space<hbm>> -> memref<1x128xi32, #tpu.memory_space<hbm>>
      %dma_start3A_403 = tpu.memref_squeeze %dma_start3A_402 : memref<1x128xi32, #tpu.memory_space<hbm>> -> memref<128xi32, #tpu.memory_space<hbm>>
      tpu.enqueue_dma source(%dma_start3A_403 : memref<128xi32, #tpu.memory_space<hbm>>) target(%dma_start3A_400 : memref<128xi32, #tpu.memory_space<vmem>>) target_semaphore(%arg10 : memref<!tpu.dma_semaphore, #tpu.memory_space<semaphore_mem>>)
      %add3A_404 = arith.constant 1 : i32
      %add3A_405 = arith.addi %mul3A_285, %add3A_404 : i32
      %add3A_406 = arith.constant 1 : i32
      %add3A_407 = arith.addi %add3A_405, %add3A_406 : i32
      %add3A_408 = arith.addi %select_n3A, %add3A_407 : i32
      %dma_wait3A_409 = arith.constant 0 : i32
      %dma_wait3A_410 = arith.constant 0 : i32
      %dma_wait3A_411 = arith.constant 0 : i32
      %dma_wait3A_412 = tpu.memref_slice %arg7[%dma_wait3A_409, %dma_wait3A_410, %dma_wait3A_411] : memref<2x2x128xi32, #tpu.memory_space<vmem>> -> memref<1x1x128xi32, #tpu.memory_space<vmem>>
      %dma_wait3A_413 = tpu.memref_squeeze %dma_wait3A_412 : memref<1x1x128xi32, #tpu.memory_space<vmem>> -> memref<128xi32, #tpu.memory_space<vmem>>
      %dma_wait3A_414 = arith.constant 0 : i32
      %dma_wait3A_415 = tpu.memref_slice %arg3[%add3A_408, %dma_wait3A_414] : memref<2560x128xi32, #tpu.memory_space<hbm>> -> memref<1x128xi32, #tpu.memory_space<hbm>>
      %dma_wait3A_416 = tpu.memref_squeeze %dma_wait3A_415 : memref<1x128xi32, #tpu.memory_space<hbm>> -> memref<128xi32, #tpu.memory_space<hbm>>
      %dma_wait3A_417 = arith.constant 0 : i32
      %dma_wait3A_418 = tpu.memref_slice %arg7[%dma_wait3A_409, %dma_wait3A_410, %dma_wait3A_417] : memref<2x2x128xi32, #tpu.memory_space<vmem>> -> memref<1x1x128xi32, #tpu.memory_space<vmem>>
      %dma_wait3A_419 = tpu.memref_squeeze %dma_wait3A_418 : memref<1x1x128xi32, #tpu.memory_space<vmem>> -> memref<128xi32, #tpu.memory_space<vmem>>
      %dma_wait3A_420 = arith.constant 0 : i32
      %dma_wait3A_421 = tpu.memref_slice %arg3[%add3A_408, %dma_wait3A_420] : memref<2560x128xi32, #tpu.memory_space<hbm>> -> memref<1x128xi32, #tpu.memory_space<hbm>>
      %dma_wait3A_422 = tpu.memref_squeeze %dma_wait3A_421 : memref<1x128xi32, #tpu.memory_space<hbm>> -> memref<128xi32, #tpu.memory_space<hbm>>
      tpu.wait_dma2 semaphore(%arg10 : memref<!tpu.dma_semaphore, #tpu.memory_space<semaphore_mem>>) src(%dma_wait3A_422 : memref<128xi32, #tpu.memory_space<hbm>>) dst(%dma_wait3A_419 : memref<128xi32, #tpu.memory_space<vmem>>)
      %add3A_423 = arith.addi %select_n3A, %add3A_407 : i32
      %dma_wait3A_424 = arith.constant 0 : i32
      %dma_wait3A_425 = arith.constant 1 : i32
      %dma_wait3A_426 = arith.constant 0 : i32
      %dma_wait3A_427 = tpu.memref_slice %arg7[%dma_wait3A_424, %dma_wait3A_425, %dma_wait3A_426] : memref<2x2x128xi32, #tpu.memory_space<vmem>> -> memref<1x1x128xi32, #tpu.memory_space<vmem>>
      %dma_wait3A_428 = tpu.memref_squeeze %dma_wait3A_427 : memref<1x1x128xi32, #tpu.memory_space<vmem>> -> memref<128xi32, #tpu.memory_space<vmem>>
      %dma_wait3A_429 = arith.constant 0 : i32
      %dma_wait3A_430 = tpu.memref_slice %arg4[%add3A_423, %dma_wait3A_429] : memref<2560x128xi32, #tpu.memory_space<hbm>> -> memref<1x128xi32, #tpu.memory_space<hbm>>
      %dma_wait3A_431 = tpu.memref_squeeze %dma_wait3A_430 : memref<1x128xi32, #tpu.memory_space<hbm>> -> memref<128xi32, #tpu.memory_space<hbm>>
      %dma_wait3A_432 = arith.constant 0 : i32
      %dma_wait3A_433 = tpu.memref_slice %arg7[%dma_wait3A_424, %dma_wait3A_425, %dma_wait3A_432] : memref<2x2x128xi32, #tpu.memory_space<vmem>> -> memref<1x1x128xi32, #tpu.memory_space<vmem>>
      %dma_wait3A_434 = tpu.memref_squeeze %dma_wait3A_433 : memref<1x1x128xi32, #tpu.memory_space<vmem>> -> memref<128xi32, #tpu.memory_space<vmem>>
      %dma_wait3A_435 = arith.constant 0 : i32
      %dma_wait3A_436 = tpu.memref_slice %arg4[%add3A_423, %dma_wait3A_435] : memref<2560x128xi32, #tpu.memory_space<hbm>> -> memref<1x128xi32, #tpu.memory_space<hbm>>
      %dma_wait3A_437 = tpu.memref_squeeze %dma_wait3A_436 : memref<1x128xi32, #tpu.memory_space<hbm>> -> memref<128xi32, #tpu.memory_space<hbm>>
      tpu.wait_dma2 semaphore(%arg10 : memref<!tpu.dma_semaphore, #tpu.memory_space<semaphore_mem>>) src(%dma_wait3A_437 : memref<128xi32, #tpu.memory_space<hbm>>) dst(%dma_wait3A_434 : memref<128xi32, #tpu.memory_space<vmem>>)
      %add3A_438 = arith.constant 1 : i32
      %add3A_439 = arith.addi %add3A_405, %add3A_438 : i32
      %dma_start3A_440 = arith.constant 0 : i32
      %dma_start3A_441 = arith.constant 0 : i32
      %dma_start3A_442 = arith.constant 0 : i32
      %dma_start3A_443 = arith.constant 0 : i32
      %dma_start3A_444 = arith.constant 0 : i32
      %dma_start3A_445 = tpu.memref_slice %arg8[%dma_start3A_442, %dma_start3A_443, %dma_start3A_444] : memref<2x128x128xf32, #tpu.memory_space<vmem>> -> memref<1x128x128xf32, #tpu.memory_space<vmem>>
      %dma_start3A_446 = tpu.memref_squeeze %dma_start3A_445 : memref<1x128x128xf32, #tpu.memory_space<vmem>> -> memref<128x128xf32, #tpu.memory_space<vmem>>
      %dma_start3A_447 = arith.constant 0 : i32
      %dma_start3A_448 = tpu.memref_slice %arg7[%dma_start3A_440, %dma_start3A_441, %dma_start3A_447] : memref<2x2x128xi32, #tpu.memory_space<vmem>> -> memref<1x1x128xi32, #tpu.memory_space<vmem>>
      %dma_start3A_449 = tpu.memref_squeeze %dma_start3A_448 : memref<1x1x128xi32, #tpu.memory_space<vmem>> -> memref<128xi32, #tpu.memory_space<vmem>>
      %dma_start3A_450 = arith.constant 0 : i32
      %dma_start3A_451 = arith.constant 0 : i32
      %dma_start3A_452 = tpu.memref_slice %arg2[%dma_start3A_450, %dma_start3A_451] : memref<270000x128xf32, #tpu.memory_space<hbm>> -> memref<270000x128xf32, #tpu.memory_space<hbm>>
      tpu.enqueue_indirect_dma source(%dma_start3A_452 : memref<270000x128xf32, #tpu.memory_space<hbm>>) target(%dma_start3A_446 : memref<128x128xf32, #tpu.memory_space<vmem>>) offsets(%dma_start3A_449 : memref<128xi32, #tpu.memory_space<vmem>>) semaphore(%arg12 : memref<!tpu.dma_semaphore, #tpu.memory_space<semaphore_mem>>)
      %dma_wait3A_453 = arith.constant 1 : i32
      %dma_wait3A_454 = arith.constant 0 : i32
      %dma_wait3A_455 = arith.constant 1 : i32
      %dma_wait3A_456 = arith.constant 0 : i32
      %dma_wait3A_457 = arith.constant 0 : i32
      %dma_wait3A_458 = tpu.memref_slice %arg8[%dma_wait3A_455, %dma_wait3A_456, %dma_wait3A_457] : memref<2x128x128xf32, #tpu.memory_space<vmem>> -> memref<1x128x128xf32, #tpu.memory_space<vmem>>
      %dma_wait3A_459 = tpu.memref_squeeze %dma_wait3A_458 : memref<1x128x128xf32, #tpu.memory_space<vmem>> -> memref<128x128xf32, #tpu.memory_space<vmem>>
      %dma_wait3A_460 = arith.constant 0 : i32
      %dma_wait3A_461 = tpu.memref_slice %arg7[%dma_wait3A_453, %dma_wait3A_454, %dma_wait3A_460] : memref<2x2x128xi32, #tpu.memory_space<vmem>> -> memref<1x1x128xi32, #tpu.memory_space<vmem>>
      %dma_wait3A_462 = tpu.memref_squeeze %dma_wait3A_461 : memref<1x1x128xi32, #tpu.memory_space<vmem>> -> memref<128xi32, #tpu.memory_space<vmem>>
      %dma_wait3A_463 = arith.constant 0 : i32
      %dma_wait3A_464 = arith.constant 0 : i32
      %dma_wait3A_465 = tpu.memref_slice %arg2[%dma_wait3A_463, %dma_wait3A_464] : memref<270000x128xf32, #tpu.memory_space<hbm>> -> memref<270000x128xf32, #tpu.memory_space<hbm>>
      tpu.wait_indirect_dma semaphore(%arg13 : memref<!tpu.dma_semaphore, #tpu.memory_space<semaphore_mem>>) src(%dma_wait3A_465 : memref<270000x128xf32, #tpu.memory_space<hbm>>) dst(%dma_wait3A_459 : memref<128x128xf32, #tpu.memory_space<vmem>>)
      %dma_start3A_466 = arith.constant 1 : i32
      %dma_start3A_467 = arith.constant 1 : i32
      %dma_start3A_468 = arith.constant 1 : i32
      %dma_start3A_469 = arith.constant 0 : i32
      %dma_start3A_470 = arith.constant 0 : i32
      %dma_start3A_471 = tpu.memref_slice %arg8[%dma_start3A_466, %dma_start3A_469, %dma_start3A_470] : memref<2x128x128xf32, #tpu.memory_space<vmem>> -> memref<1x128x128xf32, #tpu.memory_space<vmem>>
      %dma_start3A_472 = tpu.memref_squeeze %dma_start3A_471 : memref<1x128x128xf32, #tpu.memory_space<vmem>> -> memref<128x128xf32, #tpu.memory_space<vmem>>
      %dma_start3A_473 = arith.constant 0 : i32
      %dma_start3A_474 = tpu.memref_slice %arg7[%dma_start3A_467, %dma_start3A_468, %dma_start3A_473] : memref<2x2x128xi32, #tpu.memory_space<vmem>> -> memref<1x1x128xi32, #tpu.memory_space<vmem>>
      %dma_start3A_475 = tpu.memref_squeeze %dma_start3A_474 : memref<1x1x128xi32, #tpu.memory_space<vmem>> -> memref<128xi32, #tpu.memory_space<vmem>>
      %dma_start3A_476 = arith.constant 0 : i32
      %dma_start3A_477 = arith.constant 0 : i32
      %dma_start3A_478 = tpu.memref_slice %arg9[%dma_start3A_476, %dma_start3A_477] : memref<10112x128xf32, #tpu.memory_space<vmem_shared>> -> memref<10112x128xf32, #tpu.memory_space<vmem_shared>>
      tpu.enqueue_indirect_dma source(%dma_start3A_472 : memref<128x128xf32, #tpu.memory_space<vmem>>) target(%dma_start3A_478 : memref<10112x128xf32, #tpu.memory_space<vmem_shared>>) offsets(%dma_start3A_475 : memref<128xi32, #tpu.memory_space<vmem>>) semaphore(%arg15 : memref<!tpu.dma_semaphore, #tpu.memory_space<semaphore_mem>>) {add = true}
      %dma_wait3A_479 = arith.constant 1 : i32
      %dma_wait3A_480 = arith.constant 1 : i32
      %dma_wait3A_481 = arith.constant 1 : i32
      %dma_wait3A_482 = arith.constant 0 : i32
      %dma_wait3A_483 = arith.constant 0 : i32
      %dma_wait3A_484 = tpu.memref_slice %arg8[%dma_wait3A_479, %dma_wait3A_482, %dma_wait3A_483] : memref<2x128x128xf32, #tpu.memory_space<vmem>> -> memref<1x128x128xf32, #tpu.memory_space<vmem>>
      %dma_wait3A_485 = tpu.memref_squeeze %dma_wait3A_484 : memref<1x128x128xf32, #tpu.memory_space<vmem>> -> memref<128x128xf32, #tpu.memory_space<vmem>>
      %dma_wait3A_486 = arith.constant 0 : i32
      %dma_wait3A_487 = tpu.memref_slice %arg7[%dma_wait3A_480, %dma_wait3A_481, %dma_wait3A_486] : memref<2x2x128xi32, #tpu.memory_space<vmem>> -> memref<1x1x128xi32, #tpu.memory_space<vmem>>
      %dma_wait3A_488 = tpu.memref_squeeze %dma_wait3A_487 : memref<1x1x128xi32, #tpu.memory_space<vmem>> -> memref<128xi32, #tpu.memory_space<vmem>>
      %dma_wait3A_489 = arith.constant 0 : i32
      %dma_wait3A_490 = arith.constant 0 : i32
      %dma_wait3A_491 = tpu.memref_slice %arg9[%dma_wait3A_489, %dma_wait3A_490] : memref<10112x128xf32, #tpu.memory_space<vmem_shared>> -> memref<10112x128xf32, #tpu.memory_space<vmem_shared>>
      tpu.wait_indirect_dma semaphore(%arg15 : memref<!tpu.dma_semaphore, #tpu.memory_space<semaphore_mem>>) src(%dma_wait3A_485 : memref<128x128xf32, #tpu.memory_space<vmem>>) dst(%dma_wait3A_491 : memref<10112x128xf32, #tpu.memory_space<vmem_shared>>)
      %add3A_492 = arith.constant 2 : i32
      %add3A_493 = arith.addi %add3A_405, %add3A_492 : i32
      %add3A_494 = arith.addi %select_n3A, %add3A_493 : i32
      %dma_start3A_495 = arith.constant 1 : i32
      %dma_start3A_496 = arith.constant 0 : i32
      %dma_start3A_497 = arith.constant 0 : i32
      %dma_start3A_498 = tpu.memref_slice %arg7[%dma_start3A_495, %dma_start3A_496, %dma_start3A_497] : memref<2x2x128xi32, #tpu.memory_space<vmem>> -> memref<1x1x128xi32, #tpu.memory_space<vmem>>
      %dma_start3A_499 = tpu.memref_squeeze %dma_start3A_498 : memref<1x1x128xi32, #tpu.memory_space<vmem>> -> memref<128xi32, #tpu.memory_space<vmem>>
      %dma_start3A_500 = arith.constant 0 : i32
      %dma_start3A_501 = tpu.memref_slice %arg3[%add3A_494, %dma_start3A_500] : memref<2560x128xi32, #tpu.memory_space<hbm>> -> memref<1x128xi32, #tpu.memory_space<hbm>>
      %dma_start3A_502 = tpu.memref_squeeze %dma_start3A_501 : memref<1x128xi32, #tpu.memory_space<hbm>> -> memref<128xi32, #tpu.memory_space<hbm>>
      %dma_start3A_503 = arith.constant 0 : i32
      %dma_start3A_504 = tpu.memref_slice %arg7[%dma_start3A_495, %dma_start3A_496, %dma_start3A_503] : memref<2x2x128xi32, #tpu.memory_space<vmem>> -> memref<1x1x128xi32, #tpu.memory_space<vmem>>
      %dma_start3A_505 = tpu.memref_squeeze %dma_start3A_504 : memref<1x1x128xi32, #tpu.memory_space<vmem>> -> memref<128xi32, #tpu.memory_space<vmem>>
      %dma_start3A_506 = arith.constant 0 : i32
      %dma_start3A_507 = tpu.memref_slice %arg3[%add3A_494, %dma_start3A_506] : memref<2560x128xi32, #tpu.memory_space<hbm>> -> memref<1x128xi32, #tpu.memory_space<hbm>>
      %dma_start3A_508 = tpu.memref_squeeze %dma_start3A_507 : memref<1x128xi32, #tpu.memory_space<hbm>> -> memref<128xi32, #tpu.memory_space<hbm>>
      tpu.enqueue_dma source(%dma_start3A_508 : memref<128xi32, #tpu.memory_space<hbm>>) target(%dma_start3A_505 : memref<128xi32, #tpu.memory_space<vmem>>) target_semaphore(%arg11 : memref<!tpu.dma_semaphore, #tpu.memory_space<semaphore_mem>>)
      %add3A_509 = arith.addi %select_n3A, %add3A_493 : i32
      %dma_start3A_510 = arith.constant 1 : i32
      %dma_start3A_511 = arith.constant 1 : i32
      %dma_start3A_512 = arith.constant 0 : i32
      %dma_start3A_513 = tpu.memref_slice %arg7[%dma_start3A_510, %dma_start3A_511, %dma_start3A_512] : memref<2x2x128xi32, #tpu.memory_space<vmem>> -> memref<1x1x128xi32, #tpu.memory_space<vmem>>
      %dma_start3A_514 = tpu.memref_squeeze %dma_start3A_513 : memref<1x1x128xi32, #tpu.memory_space<vmem>> -> memref<128xi32, #tpu.memory_space<vmem>>
      %dma_start3A_515 = arith.constant 0 : i32
      %dma_start3A_516 = tpu.memref_slice %arg4[%add3A_509, %dma_start3A_515] : memref<2560x128xi32, #tpu.memory_space<hbm>> -> memref<1x128xi32, #tpu.memory_space<hbm>>
      %dma_start3A_517 = tpu.memref_squeeze %dma_start3A_516 : memref<1x128xi32, #tpu.memory_space<hbm>> -> memref<128xi32, #tpu.memory_space<hbm>>
      %dma_start3A_518 = arith.constant 0 : i32
      %dma_start3A_519 = tpu.memref_slice %arg7[%dma_start3A_510, %dma_start3A_511, %dma_start3A_518] : memref<2x2x128xi32, #tpu.memory_space<vmem>> -> memref<1x1x128xi32, #tpu.memory_space<vmem>>
      %dma_start3A_520 = tpu.memref_squeeze %dma_start3A_519 : memref<1x1x128xi32, #tpu.memory_space<vmem>> -> memref<128xi32, #tpu.memory_space<vmem>>
      %dma_start3A_521 = arith.constant 0 : i32
      %dma_start3A_522 = tpu.memref_slice %arg4[%add3A_509, %dma_start3A_521] : memref<2560x128xi32, #tpu.memory_space<hbm>> -> memref<1x128xi32, #tpu.memory_space<hbm>>
      %dma_start3A_523 = tpu.memref_squeeze %dma_start3A_522 : memref<1x128xi32, #tpu.memory_space<hbm>> -> memref<128xi32, #tpu.memory_space<hbm>>
      tpu.enqueue_dma source(%dma_start3A_523 : memref<128xi32, #tpu.memory_space<hbm>>) target(%dma_start3A_520 : memref<128xi32, #tpu.memory_space<vmem>>) target_semaphore(%arg11 : memref<!tpu.dma_semaphore, #tpu.memory_space<semaphore_mem>>)
    }
    %while3A_146 = arith.constant 1 : i32
    scf.for %while3A_283 = %while3A_144 to %while3A_140 step %while3A_146  : i32 {
      %mul3A_284 = arith.constant 2 : i32
      %mul3A_285 = arith.muli %while3A_283, %mul3A_284 : i32
      %add3A_286 = arith.constant 1 : i32
      %add3A_287 = arith.addi %mul3A_285, %add3A_286 : i32
      %add3A_288 = arith.addi %select_n3A, %add3A_287 : i32
      %dma_wait3A_289 = arith.constant 1 : i32
      %dma_wait3A_290 = arith.constant 0 : i32
      %dma_wait3A_291 = arith.constant 0 : i32
      %dma_wait3A_292 = tpu.memref_slice %arg7[%dma_wait3A_289, %dma_wait3A_290, %dma_wait3A_291] : memref<2x2x128xi32, #tpu.memory_space<vmem>> -> memref<1x1x128xi32, #tpu.memory_space<vmem>>
      %dma_wait3A_293 = tpu.memref_squeeze %dma_wait3A_292 : memref<1x1x128xi32, #tpu.memory_space<vmem>> -> memref<128xi32, #tpu.memory_space<vmem>>
      %dma_wait3A_294 = arith.constant 0 : i32
      %dma_wait3A_295 = tpu.memref_slice %arg3[%add3A_288, %dma_wait3A_294] : memref<2560x128xi32, #tpu.memory_space<hbm>> -> memref<1x128xi32, #tpu.memory_space<hbm>>
      %dma_wait3A_296 = tpu.memref_squeeze %dma_wait3A_295 : memref<1x128xi32, #tpu.memory_space<hbm>> -> memref<128xi32, #tpu.memory_space<hbm>>
      %dma_wait3A_297 = arith.constant 0 : i32
      %dma_wait3A_298 = tpu.memref_slice %arg7[%dma_wait3A_289, %dma_wait3A_290, %dma_wait3A_297] : memref<2x2x128xi32, #tpu.memory_space<vmem>> -> memref<1x1x128xi32, #tpu.memory_space<vmem>>
      %dma_wait3A_299 = tpu.memref_squeeze %dma_wait3A_298 : memref<1x1x128xi32, #tpu.memory_space<vmem>> -> memref<128xi32, #tpu.memory_space<vmem>>
      %dma_wait3A_300 = arith.constant 0 : i32
      %dma_wait3A_301 = tpu.memref_slice %arg3[%add3A_288, %dma_wait3A_300] : memref<2560x128xi32, #tpu.memory_space<hbm>> -> memref<1x128xi32, #tpu.memory_space<hbm>>
      %dma_wait3A_302 = tpu.memref_squeeze %dma_wait3A_301 : memref<1x128xi32, #tpu.memory_space<hbm>> -> memref<128xi32, #tpu.memory_space<hbm>>
      tpu.wait_dma2 semaphore(%arg11 : memref<!tpu.dma_semaphore, #tpu.memory_space<semaphore_mem>>) src(%dma_wait3A_302 : memref<128xi32, #tpu.memory_space<hbm>>) dst(%dma_wait3A_299 : memref<128xi32, #tpu.memory_space<vmem>>)
      %add3A_303 = arith.addi %select_n3A, %add3A_287 : i32
      %dma_wait3A_304 = arith.constant 1 : i32
      %dma_wait3A_305 = arith.constant 1 : i32
      %dma_wait3A_306 = arith.constant 0 : i32
      %dma_wait3A_307 = tpu.memref_slice %arg7[%dma_wait3A_304, %dma_wait3A_305, %dma_wait3A_306] : memref<2x2x128xi32, #tpu.memory_space<vmem>> -> memref<1x1x128xi32, #tpu.memory_space<vmem>>
      %dma_wait3A_308 = tpu.memref_squeeze %dma_wait3A_307 : memref<1x1x128xi32, #tpu.memory_space<vmem>> -> memref<128xi32, #tpu.memory_space<vmem>>
      %dma_wait3A_309 = arith.constant 0 : i32
      %dma_wait3A_310 = tpu.memref_slice %arg4[%add3A_303, %dma_wait3A_309] : memref<2560x128xi32, #tpu.memory_space<hbm>> -> memref<1x128xi32, #tpu.memory_space<hbm>>
      %dma_wait3A_311 = tpu.memref_squeeze %dma_wait3A_310 : memref<1x128xi32, #tpu.memory_space<hbm>> -> memref<128xi32, #tpu.memory_space<hbm>>
      %dma_wait3A_312 = arith.constant 0 : i32
      %dma_wait3A_313 = tpu.memref_slice %arg7[%dma_wait3A_304, %dma_wait3A_305, %dma_wait3A_312] : memref<2x2x128xi32, #tpu.memory_space<vmem>> -> memref<1x1x128xi32, #tpu.memory_space<vmem>>
      %dma_wait3A_314 = tpu.memref_squeeze %dma_wait3A_313 : memref<1x1x128xi32, #tpu.memory_space<vmem>> -> memref<128xi32, #tpu.memory_space<vmem>>
      %dma_wait3A_315 = arith.constant 0 : i32
      %dma_wait3A_316 = tpu.memref_slice %arg4[%add3A_303, %dma_wait3A_315] : memref<2560x128xi32, #tpu.memory_space<hbm>> -> memref<1x128xi32, #tpu.memory_space<hbm>>
      %dma_wait3A_317 = tpu.memref_squeeze %dma_wait3A_316 : memref<1x128xi32, #tpu.memory_space<hbm>> -> memref<128xi32, #tpu.memory_space<hbm>>
      tpu.wait_dma2 semaphore(%arg11 : memref<!tpu.dma_semaphore, #tpu.memory_space<semaphore_mem>>) src(%dma_wait3A_317 : memref<128xi32, #tpu.memory_space<hbm>>) dst(%dma_wait3A_314 : memref<128xi32, #tpu.memory_space<vmem>>)
      %add3A_318 = arith.constant 1 : i32
      %add3A_319 = arith.addi %mul3A_285, %add3A_318 : i32
      %dma_start3A_320 = arith.constant 1 : i32
      %dma_start3A_321 = arith.constant 0 : i32
      %dma_start3A_322 = arith.constant 1 : i32
      %dma_start3A_323 = arith.constant 0 : i32
      %dma_start3A_324 = arith.constant 0 : i32
      %dma_start3A_325 = tpu.memref_slice %arg8[%dma_start3A_322, %dma_start3A_323, %dma_start3A_324] : memref<2x128x128xf32, #tpu.memory_space<vmem>> -> memref<1x128x128xf32, #tpu.memory_space<vmem>>
      %dma_start3A_326 = tpu.memref_squeeze %dma_start3A_325 : memref<1x128x128xf32, #tpu.memory_space<vmem>> -> memref<128x128xf32, #tpu.memory_space<vmem>>
      %dma_start3A_327 = arith.constant 0 : i32
      %dma_start3A_328 = tpu.memref_slice %arg7[%dma_start3A_320, %dma_start3A_321, %dma_start3A_327] : memref<2x2x128xi32, #tpu.memory_space<vmem>> -> memref<1x1x128xi32, #tpu.memory_space<vmem>>
      %dma_start3A_329 = tpu.memref_squeeze %dma_start3A_328 : memref<1x1x128xi32, #tpu.memory_space<vmem>> -> memref<128xi32, #tpu.memory_space<vmem>>
      %dma_start3A_330 = arith.constant 0 : i32
      %dma_start3A_331 = arith.constant 0 : i32
      %dma_start3A_332 = tpu.memref_slice %arg2[%dma_start3A_330, %dma_start3A_331] : memref<270000x128xf32, #tpu.memory_space<hbm>> -> memref<270000x128xf32, #tpu.memory_space<hbm>>
      tpu.enqueue_indirect_dma source(%dma_start3A_332 : memref<270000x128xf32, #tpu.memory_space<hbm>>) target(%dma_start3A_326 : memref<128x128xf32, #tpu.memory_space<vmem>>) offsets(%dma_start3A_329 : memref<128xi32, #tpu.memory_space<vmem>>) semaphore(%arg13 : memref<!tpu.dma_semaphore, #tpu.memory_space<semaphore_mem>>)
      %dma_wait3A_333 = arith.constant 0 : i32
      %dma_wait3A_334 = arith.constant 0 : i32
      %dma_wait3A_335 = arith.constant 0 : i32
      %dma_wait3A_336 = arith.constant 0 : i32
      %dma_wait3A_337 = arith.constant 0 : i32
      %dma_wait3A_338 = tpu.memref_slice %arg8[%dma_wait3A_335, %dma_wait3A_336, %dma_wait3A_337] : memref<2x128x128xf32, #tpu.memory_space<vmem>> -> memref<1x128x128xf32, #tpu.memory_space<vmem>>
      %dma_wait3A_339 = tpu.memref_squeeze %dma_wait3A_338 : memref<1x128x128xf32, #tpu.memory_space<vmem>> -> memref<128x128xf32, #tpu.memory_space<vmem>>
      %dma_wait3A_340 = arith.constant 0 : i32
      %dma_wait3A_341 = tpu.memref_slice %arg7[%dma_wait3A_333, %dma_wait3A_334, %dma_wait3A_340] : memref<2x2x128xi32, #tpu.memory_space<vmem>> -> memref<1x1x128xi32, #tpu.memory_space<vmem>>
      %dma_wait3A_342 = tpu.memref_squeeze %dma_wait3A_341 : memref<1x1x128xi32, #tpu.memory_space<vmem>> -> memref<128xi32, #tpu.memory_space<vmem>>
      %dma_wait3A_343 = arith.constant 0 : i32
      %dma_wait3A_344 = arith.constant 0 : i32
      %dma_wait3A_345 = tpu.memref_slice %arg2[%dma_wait3A_343, %dma_wait3A_344] : memref<270000x128xf32, #tpu.memory_space<hbm>> -> memref<270000x128xf32, #tpu.memory_space<hbm>>
      tpu.wait_indirect_dma semaphore(%arg12 : memref<!tpu.dma_semaphore, #tpu.memory_space<semaphore_mem>>) src(%dma_wait3A_345 : memref<270000x128xf32, #tpu.memory_space<hbm>>) dst(%dma_wait3A_339 : memref<128x128xf32, #tpu.memory_space<vmem>>)
      %dma_start3A_346 = arith.constant 0 : i32
      %dma_start3A_347 = arith.constant 0 : i32
      %dma_start3A_348 = arith.constant 1 : i32
      %dma_start3A_349 = arith.constant 0 : i32
      %dma_start3A_350 = arith.constant 0 : i32
      %dma_start3A_351 = tpu.memref_slice %arg8[%dma_start3A_346, %dma_start3A_349, %dma_start3A_350] : memref<2x128x128xf32, #tpu.memory_space<vmem>> -> memref<1x128x128xf32, #tpu.memory_space<vmem>>
      %dma_start3A_352 = tpu.memref_squeeze %dma_start3A_351 : memref<1x128x128xf32, #tpu.memory_space<vmem>> -> memref<128x128xf32, #tpu.memory_space<vmem>>
      %dma_start3A_353 = arith.constant 0 : i32
      %dma_start3A_354 = tpu.memref_slice %arg7[%dma_start3A_347, %dma_start3A_348, %dma_start3A_353] : memref<2x2x128xi32, #tpu.memory_space<vmem>> -> memref<1x1x128xi32, #tpu.memory_space<vmem>>
      %dma_start3A_355 = tpu.memref_squeeze %dma_start3A_354 : memref<1x1x128xi32, #tpu.memory_space<vmem>> -> memref<128xi32, #tpu.memory_space<vmem>>
      %dma_start3A_356 = arith.constant 0 : i32
      %dma_start3A_357 = arith.constant 0 : i32
      %dma_start3A_358 = tpu.memref_slice %arg9[%dma_start3A_356, %dma_start3A_357] : memref<10112x128xf32, #tpu.memory_space<vmem_shared>> -> memref<10112x128xf32, #tpu.memory_space<vmem_shared>>
      tpu.enqueue_indirect_dma source(%dma_start3A_352 : memref<128x128xf32, #tpu.memory_space<vmem>>) target(%dma_start3A_358 : memref<10112x128xf32, #tpu.memory_space<vmem_shared>>) offsets(%dma_start3A_355 : memref<128xi32, #tpu.memory_space<vmem>>) semaphore(%arg14 : memref<!tpu.dma_semaphore, #tpu.memory_space<semaphore_mem>>) {add = true}
      %dma_wait3A_359 = arith.constant 0 : i32
      %dma_wait3A_360 = arith.constant 0 : i32
      %dma_wait3A_361 = arith.constant 1 : i32
      %dma_wait3A_362 = arith.constant 0 : i32
      %dma_wait3A_363 = arith.constant 0 : i32
      %dma_wait3A_364 = tpu.memref_slice %arg8[%dma_wait3A_359, %dma_wait3A_362, %dma_wait3A_363] : memref<2x128x128xf32, #tpu.memory_space<vmem>> -> memref<1x128x128xf32, #tpu.memory_space<vmem>>
      %dma_wait3A_365 = tpu.memref_squeeze %dma_wait3A_364 : memref<1x128x128xf32, #tpu.memory_space<vmem>> -> memref<128x128xf32, #tpu.memory_space<vmem>>
      %dma_wait3A_366 = arith.constant 0 : i32
      %dma_wait3A_367 = tpu.memref_slice %arg7[%dma_wait3A_360, %dma_wait3A_361, %dma_wait3A_366] : memref<2x2x128xi32, #tpu.memory_space<vmem>> -> memref<1x1x128xi32, #tpu.memory_space<vmem>>
      %dma_wait3A_368 = tpu.memref_squeeze %dma_wait3A_367 : memref<1x1x128xi32, #tpu.memory_space<vmem>> -> memref<128xi32, #tpu.memory_space<vmem>>
      %dma_wait3A_369 = arith.constant 0 : i32
      %dma_wait3A_370 = arith.constant 0 : i32
      %dma_wait3A_371 = tpu.memref_slice %arg9[%dma_wait3A_369, %dma_wait3A_370] : memref<10112x128xf32, #tpu.memory_space<vmem_shared>> -> memref<10112x128xf32, #tpu.memory_space<vmem_shared>>
      tpu.wait_indirect_dma semaphore(%arg14 : memref<!tpu.dma_semaphore, #tpu.memory_space<semaphore_mem>>) src(%dma_wait3A_365 : memref<128x128xf32, #tpu.memory_space<vmem>>) dst(%dma_wait3A_371 : memref<10112x128xf32, #tpu.memory_space<vmem_shared>>)
      %add3A_372 = arith.constant 2 : i32
      %add3A_373 = arith.addi %mul3A_285, %add3A_372 : i32
      %add3A_374 = arith.addi %select_n3A, %add3A_373 : i32
      %dma_start3A_375 = arith.constant 0 : i32
      %dma_start3A_376 = arith.constant 0 : i32
      %dma_start3A_377 = arith.constant 0 : i32
      %dma_start3A_378 = tpu.memref_slice %arg7[%dma_start3A_375, %dma_start3A_376, %dma_start3A_377] : memref<2x2x128xi32, #tpu.memory_space<vmem>> -> memref<1x1x128xi32, #tpu.memory_space<vmem>>
      %dma_start3A_379 = tpu.memref_squeeze %dma_start3A_378 : memref<1x1x128xi32, #tpu.memory_space<vmem>> -> memref<128xi32, #tpu.memory_space<vmem>>
      %dma_start3A_380 = arith.constant 0 : i32
      %dma_start3A_381 = tpu.memref_slice %arg3[%add3A_374, %dma_start3A_380] : memref<2560x128xi32, #tpu.memory_space<hbm>> -> memref<1x128xi32, #tpu.memory_space<hbm>>
      %dma_start3A_382 = tpu.memref_squeeze %dma_start3A_381 : memref<1x128xi32, #tpu.memory_space<hbm>> -> memref<128xi32, #tpu.memory_space<hbm>>
      %dma_start3A_383 = arith.constant 0 : i32
      %dma_start3A_384 = tpu.memref_slice %arg7[%dma_start3A_375, %dma_start3A_376, %dma_start3A_383] : memref<2x2x128xi32, #tpu.memory_space<vmem>> -> memref<1x1x128xi32, #tpu.memory_space<vmem>>
      %dma_start3A_385 = tpu.memref_squeeze %dma_start3A_384 : memref<1x1x128xi32, #tpu.memory_space<vmem>> -> memref<128xi32, #tpu.memory_space<vmem>>
      %dma_start3A_386 = arith.constant 0 : i32
      %dma_start3A_387 = tpu.memref_slice %arg3[%add3A_374, %dma_start3A_386] : memref<2560x128xi32, #tpu.memory_space<hbm>> -> memref<1x128xi32, #tpu.memory_space<hbm>>
      %dma_start3A_388 = tpu.memref_squeeze %dma_start3A_387 : memref<1x128xi32, #tpu.memory_space<hbm>> -> memref<128xi32, #tpu.memory_space<hbm>>
      tpu.enqueue_dma source(%dma_start3A_388 : memref<128xi32, #tpu.memory_space<hbm>>) target(%dma_start3A_385 : memref<128xi32, #tpu.memory_space<vmem>>) target_semaphore(%arg10 : memref<!tpu.dma_semaphore, #tpu.memory_space<semaphore_mem>>)
      %add3A_389 = arith.addi %select_n3A, %add3A_373 : i32
      %dma_start3A_390 = arith.constant 0 : i32
      %dma_start3A_391 = arith.constant 1 : i32
      %dma_start3A_392 = arith.constant 0 : i32
      %dma_start3A_393 = tpu.memref_slice %arg7[%dma_start3A_390, %dma_start3A_391, %dma_start3A_392] : memref<2x2x128xi32, #tpu.memory_space<vmem>> -> memref<1x1x128xi32, #tpu.memory_space<vmem>>
      %dma_start3A_394 = tpu.memref_squeeze %dma_start3A_393 : memref<1x1x128xi32, #tpu.memory_space<vmem>> -> memref<128xi32, #tpu.memory_space<vmem>>
      %dma_start3A_395 = arith.constant 0 : i32
      %dma_start3A_396 = tpu.memref_slice %arg4[%add3A_389, %dma_start3A_395] : memref<2560x128xi32, #tpu.memory_space<hbm>> -> memref<1x128xi32, #tpu.memory_space<hbm>>
      %dma_start3A_397 = tpu.memref_squeeze %dma_start3A_396 : memref<1x128xi32, #tpu.memory_space<hbm>> -> memref<128xi32, #tpu.memory_space<hbm>>
      %dma_start3A_398 = arith.constant 0 : i32
      %dma_start3A_399 = tpu.memref_slice %arg7[%dma_start3A_390, %dma_start3A_391, %dma_start3A_398] : memref<2x2x128xi32, #tpu.memory_space<vmem>> -> memref<1x1x128xi32, #tpu.memory_space<vmem>>
      %dma_start3A_400 = tpu.memref_squeeze %dma_start3A_399 : memref<1x1x128xi32, #tpu.memory_space<vmem>> -> memref<128xi32, #tpu.memory_space<vmem>>
      %dma_start3A_401 = arith.constant 0 : i32
      %dma_start3A_402 = tpu.memref_slice %arg4[%add3A_389, %dma_start3A_401] : memref<2560x128xi32, #tpu.memory_space<hbm>> -> memref<1x128xi32, #tpu.memory_space<hbm>>
      %dma_start3A_403 = tpu.memref_squeeze %dma_start3A_402 : memref<1x128xi32, #tpu.memory_space<hbm>> -> memref<128xi32, #tpu.memory_space<hbm>>
      tpu.enqueue_dma source(%dma_start3A_403 : memref<128xi32, #tpu.memory_space<hbm>>) target(%dma_start3A_400 : memref<128xi32, #tpu.memory_space<vmem>>) target_semaphore(%arg10 : memref<!tpu.dma_semaphore, #tpu.memory_space<semaphore_mem>>)
      %add3A_404 = arith.constant 1 : i32
      %add3A_405 = arith.addi %mul3A_285, %add3A_404 : i32
      %add3A_406 = arith.constant 1 : i32
      %add3A_407 = arith.addi %add3A_405, %add3A_406 : i32
      %add3A_408 = arith.addi %select_n3A, %add3A_407 : i32
      %dma_wait3A_409 = arith.constant 0 : i32
      %dma_wait3A_410 = arith.constant 0 : i32
      %dma_wait3A_411 = arith.constant 0 : i32
      %dma_wait3A_412 = tpu.memref_slice %arg7[%dma_wait3A_409, %dma_wait3A_410, %dma_wait3A_411] : memref<2x2x128xi32, #tpu.memory_space<vmem>> -> memref<1x1x128xi32, #tpu.memory_space<vmem>>
      %dma_wait3A_413 = tpu.memref_squeeze %dma_wait3A_412 : memref<1x1x128xi32, #tpu.memory_space<vmem>> -> memref<128xi32, #tpu.memory_space<vmem>>
      %dma_wait3A_414 = arith.constant 0 : i32
      %dma_wait3A_415 = tpu.memref_slice %arg3[%add3A_408, %dma_wait3A_414] : memref<2560x128xi32, #tpu.memory_space<hbm>> -> memref<1x128xi32, #tpu.memory_space<hbm>>
      %dma_wait3A_416 = tpu.memref_squeeze %dma_wait3A_415 : memref<1x128xi32, #tpu.memory_space<hbm>> -> memref<128xi32, #tpu.memory_space<hbm>>
      %dma_wait3A_417 = arith.constant 0 : i32
      %dma_wait3A_418 = tpu.memref_slice %arg7[%dma_wait3A_409, %dma_wait3A_410, %dma_wait3A_417] : memref<2x2x128xi32, #tpu.memory_space<vmem>> -> memref<1x1x128xi32, #tpu.memory_space<vmem>>
      %dma_wait3A_419 = tpu.memref_squeeze %dma_wait3A_418 : memref<1x1x128xi32, #tpu.memory_space<vmem>> -> memref<128xi32, #tpu.memory_space<vmem>>
      %dma_wait3A_420 = arith.constant 0 : i32
      %dma_wait3A_421 = tpu.memref_slice %arg3[%add3A_408, %dma_wait3A_420] : memref<2560x128xi32, #tpu.memory_space<hbm>> -> memref<1x128xi32, #tpu.memory_space<hbm>>
      %dma_wait3A_422 = tpu.memref_squeeze %dma_wait3A_421 : memref<1x128xi32, #tpu.memory_space<hbm>> -> memref<128xi32, #tpu.memory_space<hbm>>
      tpu.wait_dma2 semaphore(%arg10 : memref<!tpu.dma_semaphore, #tpu.memory_space<semaphore_mem>>) src(%dma_wait3A_422 : memref<128xi32, #tpu.memory_space<hbm>>) dst(%dma_wait3A_419 : memref<128xi32, #tpu.memory_space<vmem>>)
      %add3A_423 = arith.addi %select_n3A, %add3A_407 : i32
      %dma_wait3A_424 = arith.constant 0 : i32
      %dma_wait3A_425 = arith.constant 1 : i32
      %dma_wait3A_426 = arith.constant 0 : i32
      %dma_wait3A_427 = tpu.memref_slice %arg7[%dma_wait3A_424, %dma_wait3A_425, %dma_wait3A_426] : memref<2x2x128xi32, #tpu.memory_space<vmem>> -> memref<1x1x128xi32, #tpu.memory_space<vmem>>
      %dma_wait3A_428 = tpu.memref_squeeze %dma_wait3A_427 : memref<1x1x128xi32, #tpu.memory_space<vmem>> -> memref<128xi32, #tpu.memory_space<vmem>>
      %dma_wait3A_429 = arith.constant 0 : i32
      %dma_wait3A_430 = tpu.memref_slice %arg4[%add3A_423, %dma_wait3A_429] : memref<2560x128xi32, #tpu.memory_space<hbm>> -> memref<1x128xi32, #tpu.memory_space<hbm>>
      %dma_wait3A_431 = tpu.memref_squeeze %dma_wait3A_430 : memref<1x128xi32, #tpu.memory_space<hbm>> -> memref<128xi32, #tpu.memory_space<hbm>>
      %dma_wait3A_432 = arith.constant 0 : i32
      %dma_wait3A_433 = tpu.memref_slice %arg7[%dma_wait3A_424, %dma_wait3A_425, %dma_wait3A_432] : memref<2x2x128xi32, #tpu.memory_space<vmem>> -> memref<1x1x128xi32, #tpu.memory_space<vmem>>
      %dma_wait3A_434 = tpu.memref_squeeze %dma_wait3A_433 : memref<1x1x128xi32, #tpu.memory_space<vmem>> -> memref<128xi32, #tpu.memory_space<vmem>>
      %dma_wait3A_435 = arith.constant 0 : i32
      %dma_wait3A_436 = tpu.memref_slice %arg4[%add3A_423, %dma_wait3A_435] : memref<2560x128xi32, #tpu.memory_space<hbm>> -> memref<1x128xi32, #tpu.memory_space<hbm>>
      %dma_wait3A_437 = tpu.memref_squeeze %dma_wait3A_436 : memref<1x128xi32, #tpu.memory_space<hbm>> -> memref<128xi32, #tpu.memory_space<hbm>>
      tpu.wait_dma2 semaphore(%arg10 : memref<!tpu.dma_semaphore, #tpu.memory_space<semaphore_mem>>) src(%dma_wait3A_437 : memref<128xi32, #tpu.memory_space<hbm>>) dst(%dma_wait3A_434 : memref<128xi32, #tpu.memory_space<vmem>>)
      %add3A_438 = arith.constant 1 : i32
      %add3A_439 = arith.addi %add3A_405, %add3A_438 : i32
      %dma_start3A_440 = arith.constant 0 : i32
      %dma_start3A_441 = arith.constant 0 : i32
      %dma_start3A_442 = arith.constant 0 : i32
      %dma_start3A_443 = arith.constant 0 : i32
      %dma_start3A_444 = arith.constant 0 : i32
      %dma_start3A_445 = tpu.memref_slice %arg8[%dma_start3A_442, %dma_start3A_443, %dma_start3A_444] : memref<2x128x128xf32, #tpu.memory_space<vmem>> -> memref<1x128x128xf32, #tpu.memory_space<vmem>>
      %dma_start3A_446 = tpu.memref_squeeze %dma_start3A_445 : memref<1x128x128xf32, #tpu.memory_space<vmem>> -> memref<128x128xf32, #tpu.memory_space<vmem>>
      %dma_start3A_447 = arith.constant 0 : i32
      %dma_start3A_448 = tpu.memref_slice %arg7[%dma_start3A_440, %dma_start3A_441, %dma_start3A_447] : memref<2x2x128xi32, #tpu.memory_space<vmem>> -> memref<1x1x128xi32, #tpu.memory_space<vmem>>
      %dma_start3A_449 = tpu.memref_squeeze %dma_start3A_448 : memref<1x1x128xi32, #tpu.memory_space<vmem>> -> memref<128xi32, #tpu.memory_space<vmem>>
      %dma_start3A_450 = arith.constant 0 : i32
      %dma_start3A_451 = arith.constant 0 : i32
      %dma_start3A_452 = tpu.memref_slice %arg2[%dma_start3A_450, %dma_start3A_451] : memref<270000x128xf32, #tpu.memory_space<hbm>> -> memref<270000x128xf32, #tpu.memory_space<hbm>>
      tpu.enqueue_indirect_dma source(%dma_start3A_452 : memref<270000x128xf32, #tpu.memory_space<hbm>>) target(%dma_start3A_446 : memref<128x128xf32, #tpu.memory_space<vmem>>) offsets(%dma_start3A_449 : memref<128xi32, #tpu.memory_space<vmem>>) semaphore(%arg12 : memref<!tpu.dma_semaphore, #tpu.memory_space<semaphore_mem>>)
      %dma_wait3A_453 = arith.constant 1 : i32
      %dma_wait3A_454 = arith.constant 0 : i32
      %dma_wait3A_455 = arith.constant 1 : i32
      %dma_wait3A_456 = arith.constant 0 : i32
      %dma_wait3A_457 = arith.constant 0 : i32
      %dma_wait3A_458 = tpu.memref_slice %arg8[%dma_wait3A_455, %dma_wait3A_456, %dma_wait3A_457] : memref<2x128x128xf32, #tpu.memory_space<vmem>> -> memref<1x128x128xf32, #tpu.memory_space<vmem>>
      %dma_wait3A_459 = tpu.memref_squeeze %dma_wait3A_458 : memref<1x128x128xf32, #tpu.memory_space<vmem>> -> memref<128x128xf32, #tpu.memory_space<vmem>>
      %dma_wait3A_460 = arith.constant 0 : i32
      %dma_wait3A_461 = tpu.memref_slice %arg7[%dma_wait3A_453, %dma_wait3A_454, %dma_wait3A_460] : memref<2x2x128xi32, #tpu.memory_space<vmem>> -> memref<1x1x128xi32, #tpu.memory_space<vmem>>
      %dma_wait3A_462 = tpu.memref_squeeze %dma_wait3A_461 : memref<1x1x128xi32, #tpu.memory_space<vmem>> -> memref<128xi32, #tpu.memory_space<vmem>>
      %dma_wait3A_463 = arith.constant 0 : i32
      %dma_wait3A_464 = arith.constant 0 : i32
      %dma_wait3A_465 = tpu.memref_slice %arg2[%dma_wait3A_463, %dma_wait3A_464] : memref<270000x128xf32, #tpu.memory_space<hbm>> -> memref<270000x128xf32, #tpu.memory_space<hbm>>
      tpu.wait_indirect_dma semaphore(%arg13 : memref<!tpu.dma_semaphore, #tpu.memory_space<semaphore_mem>>) src(%dma_wait3A_465 : memref<270000x128xf32, #tpu.memory_space<hbm>>) dst(%dma_wait3A_459 : memref<128x128xf32, #tpu.memory_space<vmem>>)
      %dma_start3A_466 = arith.constant 1 : i32
      %dma_start3A_467 = arith.constant 1 : i32
      %dma_start3A_468 = arith.constant 1 : i32
      %dma_start3A_469 = arith.constant 0 : i32
      %dma_start3A_470 = arith.constant 0 : i32
      %dma_start3A_471 = tpu.memref_slice %arg8[%dma_start3A_466, %dma_start3A_469, %dma_start3A_470] : memref<2x128x128xf32, #tpu.memory_space<vmem>> -> memref<1x128x128xf32, #tpu.memory_space<vmem>>
      %dma_start3A_472 = tpu.memref_squeeze %dma_start3A_471 : memref<1x128x128xf32, #tpu.memory_space<vmem>> -> memref<128x128xf32, #tpu.memory_space<vmem>>
      %dma_start3A_473 = arith.constant 0 : i32
      %dma_start3A_474 = tpu.memref_slice %arg7[%dma_start3A_467, %dma_start3A_468, %dma_start3A_473] : memref<2x2x128xi32, #tpu.memory_space<vmem>> -> memref<1x1x128xi32, #tpu.memory_space<vmem>>
      %dma_start3A_475 = tpu.memref_squeeze %dma_start3A_474 : memref<1x1x128xi32, #tpu.memory_space<vmem>> -> memref<128xi32, #tpu.memory_space<vmem>>
      %dma_start3A_476 = arith.constant 0 : i32
      %dma_start3A_477 = arith.constant 0 : i32
      %dma_start3A_478 = tpu.memref_slice %arg9[%dma_start3A_476, %dma_start3A_477] : memref<10112x128xf32, #tpu.memory_space<vmem_shared>> -> memref<10112x128xf32, #tpu.memory_space<vmem_shared>>
      tpu.enqueue_indirect_dma source(%dma_start3A_472 : memref<128x128xf32, #tpu.memory_space<vmem>>) target(%dma_start3A_478 : memref<10112x128xf32, #tpu.memory_space<vmem_shared>>) offsets(%dma_start3A_475 : memref<128xi32, #tpu.memory_space<vmem>>) semaphore(%arg15 : memref<!tpu.dma_semaphore, #tpu.memory_space<semaphore_mem>>) {add = true}
      %dma_wait3A_479 = arith.constant 1 : i32
      %dma_wait3A_480 = arith.constant 1 : i32
      %dma_wait3A_481 = arith.constant 1 : i32
      %dma_wait3A_482 = arith.constant 0 : i32
      %dma_wait3A_483 = arith.constant 0 : i32
      %dma_wait3A_484 = tpu.memref_slice %arg8[%dma_wait3A_479, %dma_wait3A_482, %dma_wait3A_483] : memref<2x128x128xf32, #tpu.memory_space<vmem>> -> memref<1x128x128xf32, #tpu.memory_space<vmem>>
      %dma_wait3A_485 = tpu.memref_squeeze %dma_wait3A_484 : memref<1x128x128xf32, #tpu.memory_space<vmem>> -> memref<128x128xf32, #tpu.memory_space<vmem>>
      %dma_wait3A_486 = arith.constant 0 : i32
      %dma_wait3A_487 = tpu.memref_slice %arg7[%dma_wait3A_480, %dma_wait3A_481, %dma_wait3A_486] : memref<2x2x128xi32, #tpu.memory_space<vmem>> -> memref<1x1x128xi32, #tpu.memory_space<vmem>>
      %dma_wait3A_488 = tpu.memref_squeeze %dma_wait3A_487 : memref<1x1x128xi32, #tpu.memory_space<vmem>> -> memref<128xi32, #tpu.memory_space<vmem>>
      %dma_wait3A_489 = arith.constant 0 : i32
      %dma_wait3A_490 = arith.constant 0 : i32
      %dma_wait3A_491 = tpu.memref_slice %arg9[%dma_wait3A_489, %dma_wait3A_490] : memref<10112x128xf32, #tpu.memory_space<vmem_shared>> -> memref<10112x128xf32, #tpu.memory_space<vmem_shared>>
      tpu.wait_indirect_dma semaphore(%arg15 : memref<!tpu.dma_semaphore, #tpu.memory_space<semaphore_mem>>) src(%dma_wait3A_485 : memref<128x128xf32, #tpu.memory_space<vmem>>) dst(%dma_wait3A_491 : memref<10112x128xf32, #tpu.memory_space<vmem_shared>>)
      %add3A_492 = arith.constant 2 : i32
      %add3A_493 = arith.addi %add3A_405, %add3A_492 : i32
      %add3A_494 = arith.addi %select_n3A, %add3A_493 : i32
      %dma_start3A_495 = arith.constant 1 : i32
      %dma_start3A_496 = arith.constant 0 : i32
      %dma_start3A_497 = arith.constant 0 : i32
      %dma_start3A_498 = tpu.memref_slice %arg7[%dma_start3A_495, %dma_start3A_496, %dma_start3A_497] : memref<2x2x128xi32, #tpu.memory_space<vmem>> -> memref<1x1x128xi32, #tpu.memory_space<vmem>>
      %dma_start3A_499 = tpu.memref_squeeze %dma_start3A_498 : memref<1x1x128xi32, #tpu.memory_space<vmem>> -> memref<128xi32, #tpu.memory_space<vmem>>
      %dma_start3A_500 = arith.constant 0 : i32
      %dma_start3A_501 = tpu.memref_slice %arg3[%add3A_494, %dma_start3A_500] : memref<2560x128xi32, #tpu.memory_space<hbm>> -> memref<1x128xi32, #tpu.memory_space<hbm>>
      %dma_start3A_502 = tpu.memref_squeeze %dma_start3A_501 : memref<1x128xi32, #tpu.memory_space<hbm>> -> memref<128xi32, #tpu.memory_space<hbm>>
      %dma_start3A_503 = arith.constant 0 : i32
      %dma_start3A_504 = tpu.memref_slice %arg7[%dma_start3A_495, %dma_start3A_496, %dma_start3A_503] : memref<2x2x128xi32, #tpu.memory_space<vmem>> -> memref<1x1x128xi32, #tpu.memory_space<vmem>>
      %dma_start3A_505 = tpu.memref_squeeze %dma_start3A_504 : memref<1x1x128xi32, #tpu.memory_space<vmem>> -> memref<128xi32, #tpu.memory_space<vmem>>
      %dma_start3A_506 = arith.constant 0 : i32
      %dma_start3A_507 = tpu.memref_slice %arg3[%add3A_494, %dma_start3A_506] : memref<2560x128xi32, #tpu.memory_space<hbm>> -> memref<1x128xi32, #tpu.memory_space<hbm>>
      %dma_start3A_508 = tpu.memref_squeeze %dma_start3A_507 : memref<1x128xi32, #tpu.memory_space<hbm>> -> memref<128xi32, #tpu.memory_space<hbm>>
      tpu.enqueue_dma source(%dma_start3A_508 : memref<128xi32, #tpu.memory_space<hbm>>) target(%dma_start3A_505 : memref<128xi32, #tpu.memory_space<vmem>>) target_semaphore(%arg11 : memref<!tpu.dma_semaphore, #tpu.memory_space<semaphore_mem>>)
      %add3A_509 = arith.addi %select_n3A, %add3A_493 : i32
      %dma_start3A_510 = arith.constant 1 : i32
      %dma_start3A_511 = arith.constant 1 : i32
      %dma_start3A_512 = arith.constant 0 : i32
      %dma_start3A_513 = tpu.memref_slice %arg7[%dma_start3A_510, %dma_start3A_511, %dma_start3A_512] : memref<2x2x128xi32, #tpu.memory_space<vmem>> -> memref<1x1x128xi32, #tpu.memory_space<vmem>>
      %dma_start3A_514 = tpu.memref_squeeze %dma_start3A_513 : memref<1x1x128xi32, #tpu.memory_space<vmem>> -> memref<128xi32, #tpu.memory_space<vmem>>
      %dma_start3A_515 = arith.constant 0 : i32
      %dma_start3A_516 = tpu.memref_slice %arg4[%add3A_509, %dma_start3A_515] : memref<2560x128xi32, #tpu.memory_space<hbm>> -> memref<1x128xi32, #tpu.memory_space<hbm>>
      %dma_start3A_517 = tpu.memref_squeeze %dma_start3A_516 : memref<1x128xi32, #tpu.memory_space<hbm>> -> memref<128xi32, #tpu.memory_space<hbm>>
      %dma_start3A_518 = arith.constant 0 : i32
      %dma_start3A_519 = tpu.memref_slice %arg7[%dma_start3A_510, %dma_start3A_511, %dma_start3A_518] : memref<2x2x128xi32, #tpu.memory_space<vmem>> -> memref<1x1x128xi32, #tpu.memory_space<vmem>>
      %dma_start3A_520 = tpu.memref_squeeze %dma_start3A_519 : memref<1x1x128xi32, #tpu.memory_space<vmem>> -> memref<128xi32, #tpu.memory_space<vmem>>
      %dma_start3A_521 = arith.constant 0 : i32
      %dma_start3A_522 = tpu.memref_slice %arg4[%add3A_509, %dma_start3A_521] : memref<2560x128xi32, #tpu.memory_space<hbm>> -> memref<1x128xi32, #tpu.memory_space<hbm>>
      %dma_start3A_523 = tpu.memref_squeeze %dma_start3A_522 : memref<1x128xi32, #tpu.memory_space<hbm>> -> memref<128xi32, #tpu.memory_space<hbm>>
      tpu.enqueue_dma source(%dma_start3A_523 : memref<128xi32, #tpu.memory_space<hbm>>) target(%dma_start3A_520 : memref<128xi32, #tpu.memory_space<vmem>>) target_semaphore(%arg11 : memref<!tpu.dma_semaphore, #tpu.memory_space<semaphore_mem>>)
    }
    %sub3A_147 = arith.constant 1 : i32
    %sub3A_148 = arith.subi %select_n3A_26, %sub3A_147 : i32
    %mul3A_149 = arith.constant 2 : i32
    %mul3A_150 = arith.muli %sub3A_148, %mul3A_149 : i32
    %add3A_151 = arith.constant 1 : i32
    %add3A_152 = arith.addi %mul3A_150, %add3A_151 : i32
    %add3A_153 = arith.addi %select_n3A, %add3A_152 : i32
    %dma_wait3A_154 = arith.constant 1 : i32
    %dma_wait3A_155 = arith.constant 0 : i32
    %dma_wait3A_156 = arith.constant 0 : i32
    %dma_wait3A_157 = tpu.memref_slice %arg7[%dma_wait3A_154, %dma_wait3A_155, %dma_wait3A_156] : memref<2x2x128xi32, #tpu.memory_space<vmem>> -> memref<1x1x128xi32, #tpu.memory_space<vmem>>
    %dma_wait3A_158 = tpu.memref_squeeze %dma_wait3A_157 : memref<1x1x128xi32, #tpu.memory_space<vmem>> -> memref<128xi32, #tpu.memory_space<vmem>>
    %dma_wait3A_159 = arith.constant 0 : i32
    %dma_wait3A_160 = tpu.memref_slice %arg3[%add3A_153, %dma_wait3A_159] : memref<2560x128xi32, #tpu.memory_space<hbm>> -> memref<1x128xi32, #tpu.memory_space<hbm>>
    %dma_wait3A_161 = tpu.memref_squeeze %dma_wait3A_160 : memref<1x128xi32, #tpu.memory_space<hbm>> -> memref<128xi32, #tpu.memory_space<hbm>>
    %dma_wait3A_162 = arith.constant 0 : i32
    %dma_wait3A_163 = tpu.memref_slice %arg7[%dma_wait3A_154, %dma_wait3A_155, %dma_wait3A_162] : memref<2x2x128xi32, #tpu.memory_space<vmem>> -> memref<1x1x128xi32, #tpu.memory_space<vmem>>
    %dma_wait3A_164 = tpu.memref_squeeze %dma_wait3A_163 : memref<1x1x128xi32, #tpu.memory_space<vmem>> -> memref<128xi32, #tpu.memory_space<vmem>>
    %dma_wait3A_165 = arith.constant 0 : i32
    %dma_wait3A_166 = tpu.memref_slice %arg3[%add3A_153, %dma_wait3A_165] : memref<2560x128xi32, #tpu.memory_space<hbm>> -> memref<1x128xi32, #tpu.memory_space<hbm>>
    %dma_wait3A_167 = tpu.memref_squeeze %dma_wait3A_166 : memref<1x128xi32, #tpu.memory_space<hbm>> -> memref<128xi32, #tpu.memory_space<hbm>>
    tpu.wait_dma2 semaphore(%arg11 : memref<!tpu.dma_semaphore, #tpu.memory_space<semaphore_mem>>) src(%dma_wait3A_167 : memref<128xi32, #tpu.memory_space<hbm>>) dst(%dma_wait3A_164 : memref<128xi32, #tpu.memory_space<vmem>>)
    %add3A_168 = arith.addi %select_n3A, %add3A_152 : i32
    %dma_wait3A_169 = arith.constant 1 : i32
    %dma_wait3A_170 = arith.constant 1 : i32
    %dma_wait3A_171 = arith.constant 0 : i32
    %dma_wait3A_172 = tpu.memref_slice %arg7[%dma_wait3A_169, %dma_wait3A_170, %dma_wait3A_171] : memref<2x2x128xi32, #tpu.memory_space<vmem>> -> memref<1x1x128xi32, #tpu.memory_space<vmem>>
    %dma_wait3A_173 = tpu.memref_squeeze %dma_wait3A_172 : memref<1x1x128xi32, #tpu.memory_space<vmem>> -> memref<128xi32, #tpu.memory_space<vmem>>
    %dma_wait3A_174 = arith.constant 0 : i32
    %dma_wait3A_175 = tpu.memref_slice %arg4[%add3A_168, %dma_wait3A_174] : memref<2560x128xi32, #tpu.memory_space<hbm>> -> memref<1x128xi32, #tpu.memory_space<hbm>>
    %dma_wait3A_176 = tpu.memref_squeeze %dma_wait3A_175 : memref<1x128xi32, #tpu.memory_space<hbm>> -> memref<128xi32, #tpu.memory_space<hbm>>
    %dma_wait3A_177 = arith.constant 0 : i32
    %dma_wait3A_178 = tpu.memref_slice %arg7[%dma_wait3A_169, %dma_wait3A_170, %dma_wait3A_177] : memref<2x2x128xi32, #tpu.memory_space<vmem>> -> memref<1x1x128xi32, #tpu.memory_space<vmem>>
    %dma_wait3A_179 = tpu.memref_squeeze %dma_wait3A_178 : memref<1x1x128xi32, #tpu.memory_space<vmem>> -> memref<128xi32, #tpu.memory_space<vmem>>
    %dma_wait3A_180 = arith.constant 0 : i32
    %dma_wait3A_181 = tpu.memref_slice %arg4[%add3A_168, %dma_wait3A_180] : memref<2560x128xi32, #tpu.memory_space<hbm>> -> memref<1x128xi32, #tpu.memory_space<hbm>>
    %dma_wait3A_182 = tpu.memref_squeeze %dma_wait3A_181 : memref<1x128xi32, #tpu.memory_space<hbm>> -> memref<128xi32, #tpu.memory_space<hbm>>
    tpu.wait_dma2 semaphore(%arg11 : memref<!tpu.dma_semaphore, #tpu.memory_space<semaphore_mem>>) src(%dma_wait3A_182 : memref<128xi32, #tpu.memory_space<hbm>>) dst(%dma_wait3A_179 : memref<128xi32, #tpu.memory_space<vmem>>)
    %add3A_183 = arith.constant 1 : i32
    %add3A_184 = arith.addi %mul3A_150, %add3A_183 : i32
    %dma_start3A_185 = arith.constant 1 : i32
    %dma_start3A_186 = arith.constant 0 : i32
    %dma_start3A_187 = arith.constant 1 : i32
    %dma_start3A_188 = arith.constant 0 : i32
    %dma_start3A_189 = arith.constant 0 : i32
    %dma_start3A_190 = tpu.memref_slice %arg8[%dma_start3A_187, %dma_start3A_188, %dma_start3A_189] : memref<2x128x128xf32, #tpu.memory_space<vmem>> -> memref<1x128x128xf32, #tpu.memory_space<vmem>>
    %dma_start3A_191 = tpu.memref_squeeze %dma_start3A_190 : memref<1x128x128xf32, #tpu.memory_space<vmem>> -> memref<128x128xf32, #tpu.memory_space<vmem>>
    %dma_start3A_192 = arith.constant 0 : i32
    %dma_start3A_193 = tpu.memref_slice %arg7[%dma_start3A_185, %dma_start3A_186, %dma_start3A_192] : memref<2x2x128xi32, #tpu.memory_space<vmem>> -> memref<1x1x128xi32, #tpu.memory_space<vmem>>
    %dma_start3A_194 = tpu.memref_squeeze %dma_start3A_193 : memref<1x1x128xi32, #tpu.memory_space<vmem>> -> memref<128xi32, #tpu.memory_space<vmem>>
    %dma_start3A_195 = arith.constant 0 : i32
    %dma_start3A_196 = arith.constant 0 : i32
    %dma_start3A_197 = tpu.memref_slice %arg2[%dma_start3A_195, %dma_start3A_196] : memref<270000x128xf32, #tpu.memory_space<hbm>> -> memref<270000x128xf32, #tpu.memory_space<hbm>>
    tpu.enqueue_indirect_dma source(%dma_start3A_197 : memref<270000x128xf32, #tpu.memory_space<hbm>>) target(%dma_start3A_191 : memref<128x128xf32, #tpu.memory_space<vmem>>) offsets(%dma_start3A_194 : memref<128xi32, #tpu.memory_space<vmem>>) semaphore(%arg13 : memref<!tpu.dma_semaphore, #tpu.memory_space<semaphore_mem>>)
    %dma_wait3A_198 = arith.constant 0 : i32
    %dma_wait3A_199 = arith.constant 0 : i32
    %dma_wait3A_200 = arith.constant 0 : i32
    %dma_wait3A_201 = arith.constant 0 : i32
    %dma_wait3A_202 = arith.constant 0 : i32
    %dma_wait3A_203 = tpu.memref_slice %arg8[%dma_wait3A_200, %dma_wait3A_201, %dma_wait3A_202] : memref<2x128x128xf32, #tpu.memory_space<vmem>> -> memref<1x128x128xf32, #tpu.memory_space<vmem>>
    %dma_wait3A_204 = tpu.memref_squeeze %dma_wait3A_203 : memref<1x128x128xf32, #tpu.memory_space<vmem>> -> memref<128x128xf32, #tpu.memory_space<vmem>>
    %dma_wait3A_205 = arith.constant 0 : i32
    %dma_wait3A_206 = tpu.memref_slice %arg7[%dma_wait3A_198, %dma_wait3A_199, %dma_wait3A_205] : memref<2x2x128xi32, #tpu.memory_space<vmem>> -> memref<1x1x128xi32, #tpu.memory_space<vmem>>
    %dma_wait3A_207 = tpu.memref_squeeze %dma_wait3A_206 : memref<1x1x128xi32, #tpu.memory_space<vmem>> -> memref<128xi32, #tpu.memory_space<vmem>>
    %dma_wait3A_208 = arith.constant 0 : i32
    %dma_wait3A_209 = arith.constant 0 : i32
    %dma_wait3A_210 = tpu.memref_slice %arg2[%dma_wait3A_208, %dma_wait3A_209] : memref<270000x128xf32, #tpu.memory_space<hbm>> -> memref<270000x128xf32, #tpu.memory_space<hbm>>
    tpu.wait_indirect_dma semaphore(%arg12 : memref<!tpu.dma_semaphore, #tpu.memory_space<semaphore_mem>>) src(%dma_wait3A_210 : memref<270000x128xf32, #tpu.memory_space<hbm>>) dst(%dma_wait3A_204 : memref<128x128xf32, #tpu.memory_space<vmem>>)
    %dma_start3A_211 = arith.constant 0 : i32
    %dma_start3A_212 = arith.constant 0 : i32
    %dma_start3A_213 = arith.constant 1 : i32
    %dma_start3A_214 = arith.constant 0 : i32
    %dma_start3A_215 = arith.constant 0 : i32
    %dma_start3A_216 = tpu.memref_slice %arg8[%dma_start3A_211, %dma_start3A_214, %dma_start3A_215] : memref<2x128x128xf32, #tpu.memory_space<vmem>> -> memref<1x128x128xf32, #tpu.memory_space<vmem>>
    %dma_start3A_217 = tpu.memref_squeeze %dma_start3A_216 : memref<1x128x128xf32, #tpu.memory_space<vmem>> -> memref<128x128xf32, #tpu.memory_space<vmem>>
    %dma_start3A_218 = arith.constant 0 : i32
    %dma_start3A_219 = tpu.memref_slice %arg7[%dma_start3A_212, %dma_start3A_213, %dma_start3A_218] : memref<2x2x128xi32, #tpu.memory_space<vmem>> -> memref<1x1x128xi32, #tpu.memory_space<vmem>>
    %dma_start3A_220 = tpu.memref_squeeze %dma_start3A_219 : memref<1x1x128xi32, #tpu.memory_space<vmem>> -> memref<128xi32, #tpu.memory_space<vmem>>
    %dma_start3A_221 = arith.constant 0 : i32
    %dma_start3A_222 = arith.constant 0 : i32
    %dma_start3A_223 = tpu.memref_slice %arg9[%dma_start3A_221, %dma_start3A_222] : memref<10112x128xf32, #tpu.memory_space<vmem_shared>> -> memref<10112x128xf32, #tpu.memory_space<vmem_shared>>
    tpu.enqueue_indirect_dma source(%dma_start3A_217 : memref<128x128xf32, #tpu.memory_space<vmem>>) target(%dma_start3A_223 : memref<10112x128xf32, #tpu.memory_space<vmem_shared>>) offsets(%dma_start3A_220 : memref<128xi32, #tpu.memory_space<vmem>>) semaphore(%arg14 : memref<!tpu.dma_semaphore, #tpu.memory_space<semaphore_mem>>) {add = true}
    %dma_wait3A_224 = arith.constant 0 : i32
    %dma_wait3A_225 = arith.constant 0 : i32
    %dma_wait3A_226 = arith.constant 1 : i32
    %dma_wait3A_227 = arith.constant 0 : i32
    %dma_wait3A_228 = arith.constant 0 : i32
    %dma_wait3A_229 = tpu.memref_slice %arg8[%dma_wait3A_224, %dma_wait3A_227, %dma_wait3A_228] : memref<2x128x128xf32, #tpu.memory_space<vmem>> -> memref<1x128x128xf32, #tpu.memory_space<vmem>>
    %dma_wait3A_230 = tpu.memref_squeeze %dma_wait3A_229 : memref<1x128x128xf32, #tpu.memory_space<vmem>> -> memref<128x128xf32, #tpu.memory_space<vmem>>
    %dma_wait3A_231 = arith.constant 0 : i32
    %dma_wait3A_232 = tpu.memref_slice %arg7[%dma_wait3A_225, %dma_wait3A_226, %dma_wait3A_231] : memref<2x2x128xi32, #tpu.memory_space<vmem>> -> memref<1x1x128xi32, #tpu.memory_space<vmem>>
    %dma_wait3A_233 = tpu.memref_squeeze %dma_wait3A_232 : memref<1x1x128xi32, #tpu.memory_space<vmem>> -> memref<128xi32, #tpu.memory_space<vmem>>
    %dma_wait3A_234 = arith.constant 0 : i32
    %dma_wait3A_235 = arith.constant 0 : i32
    %dma_wait3A_236 = tpu.memref_slice %arg9[%dma_wait3A_234, %dma_wait3A_235] : memref<10112x128xf32, #tpu.memory_space<vmem_shared>> -> memref<10112x128xf32, #tpu.memory_space<vmem_shared>>
    tpu.wait_indirect_dma semaphore(%arg14 : memref<!tpu.dma_semaphore, #tpu.memory_space<semaphore_mem>>) src(%dma_wait3A_230 : memref<128x128xf32, #tpu.memory_space<vmem>>) dst(%dma_wait3A_236 : memref<10112x128xf32, #tpu.memory_space<vmem_shared>>)
    %add3A_237 = arith.constant 1 : i32
    %add3A_238 = arith.addi %mul3A_150, %add3A_237 : i32
    %dma_wait3A_239 = arith.constant 1 : i32
    %dma_wait3A_240 = arith.constant 0 : i32
    %dma_wait3A_241 = arith.constant 1 : i32
    %dma_wait3A_242 = arith.constant 0 : i32
    %dma_wait3A_243 = arith.constant 0 : i32
    %dma_wait3A_244 = tpu.memref_slice %arg8[%dma_wait3A_241, %dma_wait3A_242, %dma_wait3A_243] : memref<2x128x128xf32, #tpu.memory_space<vmem>> -> memref<1x128x128xf32, #tpu.memory_space<vmem>>
    %dma_wait3A_245 = tpu.memref_squeeze %dma_wait3A_244 : memref<1x128x128xf32, #tpu.memory_space<vmem>> -> memref<128x128xf32, #tpu.memory_space<vmem>>
    %dma_wait3A_246 = arith.constant 0 : i32
    %dma_wait3A_247 = tpu.memref_slice %arg7[%dma_wait3A_239, %dma_wait3A_240, %dma_wait3A_246] : memref<2x2x128xi32, #tpu.memory_space<vmem>> -> memref<1x1x128xi32, #tpu.memory_space<vmem>>
    %dma_wait3A_248 = tpu.memref_squeeze %dma_wait3A_247 : memref<1x1x128xi32, #tpu.memory_space<vmem>> -> memref<128xi32, #tpu.memory_space<vmem>>
    %dma_wait3A_249 = arith.constant 0 : i32
    %dma_wait3A_250 = arith.constant 0 : i32
    %dma_wait3A_251 = tpu.memref_slice %arg2[%dma_wait3A_249, %dma_wait3A_250] : memref<270000x128xf32, #tpu.memory_space<hbm>> -> memref<270000x128xf32, #tpu.memory_space<hbm>>
    tpu.wait_indirect_dma semaphore(%arg13 : memref<!tpu.dma_semaphore, #tpu.memory_space<semaphore_mem>>) src(%dma_wait3A_251 : memref<270000x128xf32, #tpu.memory_space<hbm>>) dst(%dma_wait3A_245 : memref<128x128xf32, #tpu.memory_space<vmem>>)
    %dma_start3A_252 = arith.constant 1 : i32
    %dma_start3A_253 = arith.constant 1 : i32
    %dma_start3A_254 = arith.constant 1 : i32
    %dma_start3A_255 = arith.constant 0 : i32
    %dma_start3A_256 = arith.constant 0 : i32
    %dma_start3A_257 = tpu.memref_slice %arg8[%dma_start3A_252, %dma_start3A_255, %dma_start3A_256] : memref<2x128x128xf32, #tpu.memory_space<vmem>> -> memref<1x128x128xf32, #tpu.memory_space<vmem>>
    %dma_start3A_258 = tpu.memref_squeeze %dma_start3A_257 : memref<1x128x128xf32, #tpu.memory_space<vmem>> -> memref<128x128xf32, #tpu.memory_space<vmem>>
    %dma_start3A_259 = arith.constant 0 : i32
    %dma_start3A_260 = tpu.memref_slice %arg7[%dma_start3A_253, %dma_start3A_254, %dma_start3A_259] : memref<2x2x128xi32, #tpu.memory_space<vmem>> -> memref<1x1x128xi32, #tpu.memory_space<vmem>>
    %dma_start3A_261 = tpu.memref_squeeze %dma_start3A_260 : memref<1x1x128xi32, #tpu.memory_space<vmem>> -> memref<128xi32, #tpu.memory_space<vmem>>
    %dma_start3A_262 = arith.constant 0 : i32
    %dma_start3A_263 = arith.constant 0 : i32
    %dma_start3A_264 = tpu.memref_slice %arg9[%dma_start3A_262, %dma_start3A_263] : memref<10112x128xf32, #tpu.memory_space<vmem_shared>> -> memref<10112x128xf32, #tpu.memory_space<vmem_shared>>
    tpu.enqueue_indirect_dma source(%dma_start3A_258 : memref<128x128xf32, #tpu.memory_space<vmem>>) target(%dma_start3A_264 : memref<10112x128xf32, #tpu.memory_space<vmem_shared>>) offsets(%dma_start3A_261 : memref<128xi32, #tpu.memory_space<vmem>>) semaphore(%arg15 : memref<!tpu.dma_semaphore, #tpu.memory_space<semaphore_mem>>) {add = true}
    %dma_wait3A_265 = arith.constant 1 : i32
    %dma_wait3A_266 = arith.constant 1 : i32
    %dma_wait3A_267 = arith.constant 1 : i32
    %dma_wait3A_268 = arith.constant 0 : i32
    %dma_wait3A_269 = arith.constant 0 : i32
    %dma_wait3A_270 = tpu.memref_slice %arg8[%dma_wait3A_265, %dma_wait3A_268, %dma_wait3A_269] : memref<2x128x128xf32, #tpu.memory_space<vmem>> -> memref<1x128x128xf32, #tpu.memory_space<vmem>>
    %dma_wait3A_271 = tpu.memref_squeeze %dma_wait3A_270 : memref<1x128x128xf32, #tpu.memory_space<vmem>> -> memref<128x128xf32, #tpu.memory_space<vmem>>
    %dma_wait3A_272 = arith.constant 0 : i32
    %dma_wait3A_273 = tpu.memref_slice %arg7[%dma_wait3A_266, %dma_wait3A_267, %dma_wait3A_272] : memref<2x2x128xi32, #tpu.memory_space<vmem>> -> memref<1x1x128xi32, #tpu.memory_space<vmem>>
    %dma_wait3A_274 = tpu.memref_squeeze %dma_wait3A_273 : memref<1x1x128xi32, #tpu.memory_space<vmem>> -> memref<128xi32, #tpu.memory_space<vmem>>
    %dma_wait3A_275 = arith.constant 0 : i32
    %dma_wait3A_276 = arith.constant 0 : i32
    %dma_wait3A_277 = tpu.memref_slice %arg9[%dma_wait3A_275, %dma_wait3A_276] : memref<10112x128xf32, #tpu.memory_space<vmem_shared>> -> memref<10112x128xf32, #tpu.memory_space<vmem_shared>>
    tpu.wait_indirect_dma semaphore(%arg15 : memref<!tpu.dma_semaphore, #tpu.memory_space<semaphore_mem>>) src(%dma_wait3A_271 : memref<128x128xf32, #tpu.memory_space<vmem>>) dst(%dma_wait3A_277 : memref<10112x128xf32, #tpu.memory_space<vmem_shared>>)
    %barrier3A_278 = arith.constant 0 : index
    tpu.barrier barrier_id(%barrier3A_278)
    %mul3A_279 = arith.constant 632 : i32
    %mul3A_280 = arith.muli %arg1, %mul3A_279 : i32
    %mul3A_281 = arith.constant 632 : i32
    %mul3A_282 = arith.muli %arg1, %mul3A_281 : i32
    "tpu.region"() ({
      %run_scoped3A = tpu.sem_alloc : memref<!tpu.dma_semaphore, #tpu.memory_space<semaphore_mem>>
      %dma_start3A_283 = arith.constant 0 : i32
      %dma_start3A_284 = tpu.memref_slice %arg6[%arg0, %mul3A_282, %dma_start3A_283] : memref<2x10112x128xf32, #tpu.memory_space<hbm>> -> memref<1x632x128xf32, #tpu.memory_space<hbm>>
      %dma_start3A_285 = tpu.memref_squeeze %dma_start3A_284 : memref<1x632x128xf32, #tpu.memory_space<hbm>> -> memref<632x128xf32, #tpu.memory_space<hbm>>
      %dma_start3A_286 = arith.constant 0 : i32
      %dma_start3A_287 = tpu.memref_slice %arg9[%mul3A_280, %dma_start3A_286] : memref<10112x128xf32, #tpu.memory_space<vmem_shared>> -> memref<632x128xf32, #tpu.memory_space<vmem_shared>>
      tpu.enqueue_dma source(%dma_start3A_287 : memref<632x128xf32, #tpu.memory_space<vmem_shared>>) target(%dma_start3A_285 : memref<632x128xf32, #tpu.memory_space<hbm>>) target_semaphore(%run_scoped3A : memref<!tpu.dma_semaphore, #tpu.memory_space<semaphore_mem>>)
      %dma_wait3A_288 = arith.constant 0 : i32
      %dma_wait3A_289 = tpu.memref_slice %arg6[%arg0, %mul3A_282, %dma_wait3A_288] : memref<2x10112x128xf32, #tpu.memory_space<hbm>> -> memref<1x632x128xf32, #tpu.memory_space<hbm>>
      %dma_wait3A_290 = tpu.memref_squeeze %dma_wait3A_289 : memref<1x632x128xf32, #tpu.memory_space<hbm>> -> memref<632x128xf32, #tpu.memory_space<hbm>>
      %dma_wait3A_291 = arith.constant 0 : i32
      %dma_wait3A_292 = tpu.memref_slice %arg9[%mul3A_280, %dma_wait3A_291] : memref<10112x128xf32, #tpu.memory_space<vmem_shared>> -> memref<632x128xf32, #tpu.memory_space<vmem_shared>>
      tpu.wait_dma2 semaphore(%run_scoped3A : memref<!tpu.dma_semaphore, #tpu.memory_space<semaphore_mem>>) src(%dma_wait3A_292 : memref<632x128xf32, #tpu.memory_space<vmem_shared>>) dst(%dma_wait3A_290 : memref<632x128xf32, #tpu.memory_space<hbm>>)
      tpu.yield
    }) : () -> ()
    return
  }
}

module attributes {stable_mosaic.version = 14 : i64} {
  func.func @_matmul_body(%arg0: i32, %arg1: i32, %arg2: memref<2000x128xf32, #tpu.memory_space<vmem>>, %arg3: memref<1x128x128xf32, #tpu.memory_space<vmem>>, %arg4: memref<1x2000x128xf32, #tpu.memory_space<vmem>>) attributes {dimension_semantics = [#tpu.dimension_semantics<arbitrary>, #tpu.dimension_semantics<arbitrary>], iteration_bounds = array<i64: 5, 27>, scalar_prefetch = 0 : i64, scratch_operands = 0 : i64, tpu.core_type = #tpu.core_type<tc>, window_params = [{transform_indices = @transform_0, window_bounds = array<i64: 2000, 128>}, {transform_indices = @transform_1, window_bounds = array<i64: 1, 128, 128>}, {transform_indices = @transform_2, window_bounds = array<i64: 1, 2000, 128>}]} {
    %get3A = arith.constant 0 : index
    %get3A_0 = arith.constant 0 : index
    %get3A_1 = vector.load %arg2[%get3A, %get3A_0] : memref<2000x128xf32, #tpu.memory_space<vmem>>, vector<2000x128xf32>
    %get3A_2 = arith.constant 0 : index
    %get3A_3 = arith.constant 0 : index
    %get3A_4 = arith.constant 0 : index
    %get3A_5 = vector.load %arg3[%get3A_2, %get3A_3, %get3A_4] : memref<1x128x128xf32, #tpu.memory_space<vmem>>, vector<1x128x128xf32>
    %get3A_6 = vector.shape_cast %get3A_5 : vector<1x128x128xf32> to vector<128x128xf32>
    %dot_general3A = arith.constant dense<0.000000e+00> : vector<2000x128xf32>
    %dot_general3A_7 = tpu.matmul %get3A_1, %get3A_6, %dot_general3A {dimension_numbers = #tpu.dot_dimension_numbers<[1], [0], [0], [1], [0, 0, 1, 1], [], []>, transpose_lhs_hint = false} : vector<2000x128xf32>, vector<128x128xf32>, vector<2000x128xf32> -> vector<2000x128xf32>
    %broadcast_in_dim3A = vector.shape_cast %dot_general3A_7 : vector<2000x128xf32> to vector<1x2000x128xf32>
    %swap3A = arith.constant 0 : index
    %swap3A_8 = arith.constant 0 : index
    %swap3A_9 = arith.constant 0 : index
    %swap3A_10 = vector.load %arg4[%swap3A, %swap3A_8, %swap3A_9] : memref<1x2000x128xf32, #tpu.memory_space<vmem>>, vector<1x2000x128xf32>
    tpu.vector_store %arg4[%swap3A, %swap3A_8, %swap3A_9], %broadcast_in_dim3A {strides = array<i32>} : memref<1x2000x128xf32, #tpu.memory_space<vmem>>, vector<1x2000x128xf32>,
    return
  }
  func.func @transform_0(%arg0: i32, %arg1: i32) -> (i32, i32) {
    %c0_i32 = arith.constant 0 : i32
    %c0_i32_0 = arith.constant 0 : i32
    return %arg0, %c0_i32 : i32, i32
  }
  func.func @transform_1(%arg0: i32, %arg1: i32) -> (i32, i32, i32) {
    %c0_i32 = arith.constant 0 : i32
    %c0_i32_0 = arith.constant 0 : i32
    %c0_i32_1 = arith.constant 0 : i32
    return %arg1, %c0_i32, %c0_i32_0 : i32, i32, i32
  }
  func.func @transform_2(%arg0: i32, %arg1: i32) -> (i32, i32, i32) {
    %c0_i32 = arith.constant 0 : i32
    %c0_i32_0 = arith.constant 0 : i32
    return %arg1, %arg0, %c0_i32 : i32, i32, i32
  }
}

module attributes {stable_mosaic.version = 14 : i64} {
  func.func @_bn_body(%arg0: memref<2x10112x128xf32, #tpu.memory_space<vmem>>, %arg1: memref<1x128xf32, #tpu.memory_space<vmem>>, %arg2: memref<1x128xf32, #tpu.memory_space<vmem>>, %arg3: memref<10000x128xf32, #tpu.memory_space<vmem>>) attributes {dimension_semantics = [], scalar_prefetch = 0 : i64, scratch_operands = 0 : i64, tpu.core_type = #tpu.core_type<tc>} {
    %get3A = arith.constant 0 : index
    %get3A_0 = arith.constant 0 : index
    %get3A_1 = arith.constant 0 : index
    %get3A_2 = vector.load %arg0[%get3A, %get3A_0, %get3A_1] : memref<2x10112x128xf32, #tpu.memory_space<vmem>>, vector<1x10000x128xf32>
    %get3A_3 = vector.shape_cast %get3A_2 : vector<1x10000x128xf32> to vector<10000x128xf32>
    %get3A_4 = arith.constant 1 : index
    %get3A_5 = arith.constant 0 : index
    %get3A_6 = arith.constant 0 : index
    %get3A_7 = vector.load %arg0[%get3A_4, %get3A_5, %get3A_6] : memref<2x10112x128xf32, #tpu.memory_space<vmem>>, vector<1x10000x128xf32>
    %get3A_8 = vector.shape_cast %get3A_7 : vector<1x10000x128xf32> to vector<10000x128xf32>
    %add3A = arith.addf %get3A_3, %get3A_8 : vector<10000x128xf32>
    %reduce_sum3A = arith.constant dense<0.000000e+00> : vector<128xf32>
    %reduce_sum3A_9 = vector.multi_reduction <add>, %add3A, %reduce_sum3A [0] : vector<10000x128xf32> to vector<128xf32>
    %broadcast_in_dim3A = vector.shape_cast %reduce_sum3A_9 : vector<128xf32> to vector<1x128xf32>
    %div3A = arith.constant 1.000000e+04 : f32
    %div3A_10 = vector.broadcast %div3A : f32 to vector<1x128xf32>
    %div3A_11 = arith.divf %broadcast_in_dim3A, %div3A_10 : vector<1x128xf32>
    %sub3A = vector.broadcast %div3A_11 : vector<1x128xf32> to vector<10000x128xf32>
    %sub3A_12 = arith.subf %add3A, %sub3A : vector<10000x128xf32>
    %integer_pow3A = arith.mulf %sub3A_12, %sub3A_12 : vector<10000x128xf32>
    %reduce_sum3A_13 = arith.constant dense<0.000000e+00> : vector<128xf32>
    %reduce_sum3A_14 = vector.multi_reduction <add>, %integer_pow3A, %reduce_sum3A_13 [0] : vector<10000x128xf32> to vector<128xf32>
    %broadcast_in_dim3A_15 = vector.shape_cast %reduce_sum3A_14 : vector<128xf32> to vector<1x128xf32>
    %div3A_16 = arith.constant 1.000000e+04 : f32
    %div3A_17 = vector.broadcast %div3A_16 : f32 to vector<1x128xf32>
    %div3A_18 = arith.divf %broadcast_in_dim3A_15, %div3A_17 : vector<1x128xf32>
    %sub3A_19 = vector.broadcast %div3A_11 : vector<1x128xf32> to vector<10000x128xf32>
    %sub3A_20 = arith.subf %add3A, %sub3A_19 : vector<10000x128xf32>
    %add3A_21 = arith.constant 9.99999974E-6 : f32
    %add3A_22 = vector.broadcast %add3A_21 : f32 to vector<1x128xf32>
    %add3A_23 = arith.addf %div3A_18, %add3A_22 : vector<1x128xf32>
    %rsqrt3A = math.rsqrt %add3A_23 : vector<1x128xf32>
    %mul3A = vector.broadcast %rsqrt3A : vector<1x128xf32> to vector<10000x128xf32>
    %mul3A_24 = arith.mulf %sub3A_20, %mul3A : vector<10000x128xf32>
    %get3A_25 = arith.constant 0 : index
    %get3A_26 = arith.constant 0 : index
    %get3A_27 = vector.load %arg1[%get3A_25, %get3A_26] : memref<1x128xf32, #tpu.memory_space<vmem>>, vector<1x128xf32>
    %mul3A_28 = vector.broadcast %get3A_27 : vector<1x128xf32> to vector<10000x128xf32>
    %mul3A_29 = arith.mulf %mul3A_24, %mul3A_28 : vector<10000x128xf32>
    %get3A_30 = arith.constant 0 : index
    %get3A_31 = arith.constant 0 : index
    %get3A_32 = vector.load %arg2[%get3A_30, %get3A_31] : memref<1x128xf32, #tpu.memory_space<vmem>>, vector<1x128xf32>
    %add3A_33 = vector.broadcast %get3A_32 : vector<1x128xf32> to vector<10000x128xf32>
    %add3A_34 = arith.addf %mul3A_29, %add3A_33 : vector<10000x128xf32>
    %max3A = arith.constant 0.000000e+00 : f32
    %max3A_35 = vector.broadcast %max3A : f32 to vector<10000x128xf32>
    %max3A_36 = arith.maximumf %add3A_34, %max3A_35 : vector<10000x128xf32>
    %swap3A = arith.constant 0 : index
    %swap3A_37 = arith.constant 0 : index
    %swap3A_38 = vector.load %arg3[%swap3A, %swap3A_37] : memref<10000x128xf32, #tpu.memory_space<vmem>>, vector<10000x128xf32>
    tpu.vector_store %arg3[%swap3A, %swap3A_37], %max3A_36 {strides = array<i32>} : memref<10000x128xf32, #tpu.memory_space<vmem>>, vector<10000x128xf32>,
    return
  }
}

</mosaic_0001>

<sc_bundles>
// kernel: kernel.5.cloned.1.call-start
scs
__scs_entry_jumppad:
0x0: {  	(pc) =	sbr.rel $0x88, $3  }
0x1: {  	(tag) =	ssettag $0x0;
	lr =	simm.s32 $0x1  }
0x2: {  	[smem:$0x3F9C] =	sst lr;
	_ =	strace $0xD0000000  }
0x3: {  	_ = 	snop  }
0x4: {  	_ = 	snop  }
0x5: {  	_ = 	snop  }
0x6: {  	_ = 	snop  }
0x7: {  	_ = 	snop  }
__scs_overlays_trampoline_lowered:
0x8: {  	[smem:$0x3FAB] =	sst s0  }
0x9: {  	[smem:$0x3FAC] =	sst s1  }
0xa: {  	[smem:$0x3FAD] =	sst s2  }
0xb: {  	[smem:$0x3FAE] =	sst s3  }
0xc: {  	[smem:$0x3FAF] =	sst s4  }
0xd: {  	[smem:$0x3FB0] =	sst s5  }
0xe: {  	[smem:$0x3FB1] =	sst s6  }
0xf: {  	[smem:$0x3FB2] =	sst s7  }
0x10: {  	[smem:$0x3FB3] =	sst s8  }
0x11: {  	[smem:$0x3FB4] =	sst s9;
	s0 =	simm.s32 @!p0 $0x0  }
0x12: {  	s1 =	sld [smem:$0x3F9A];
	s0 =	simm.s32 @p0 $0x1  }
0x13: {  	[smem:$0x3FB5] =	sst s0;
	s0 =	simm.s32 @!p1 $0x0  }
0x14: {  	s2 =	sld [smem:$0x3F99];
	s0 =	simm.s32 @p1 $0x1  }
0x15: {  	[smem:$0x3FB6] =	sst s0;
	s0 =	simm.s32 @!p2 $0x0  }
0x16: {  	s3 =	sld [smem:$0x3FDB];
	s0 =	simm.s32 @p2 $0x1  }
0x17: {  	s4 =	simm.s32 $0x1BF5;
	[smem:$0x3FB8] =	sst s0  }
0x18: {  	s0 =	sld [smem:$0x3F9B];
	_ =	swait.ge [sflag:s4], $0x0  }
0x19: {  	s7 =	sld [smem:$0x3F9C]  }
0x1a: {  	s8 =	sadd.s32 $0xFFFFE003, lr  }
0x1b: {  	s9 =	sadd.s32 $0xFFFFFEF7, lr;
	s5 =	simm.s32 $0xFFFFFFFF;
	p2 =	slt.u32 s8, $0xFFFFF086  }
0x1c: {  	p1 =	slt.u32 s9, $0xF7A;
	s5 =	simm.s32 @!p2 $0x0  }
0x1d: {  	s5 =	simm.s32 @p1 $0x1;
	p0 =	seq.s32 s7, s2  }
0x1e: {  	s7 =	smul.u32 @!p0 $0xF7A, s2;
	p2 =	seq.s32 @!p0 s5, $0x0  }
0x1f: {  	s9 =	smul.u32 $0xF7A, s1;
	s8 =	simm.s32 @!p0 $0x1BF5;
	p2 =	por !p2, p0  }
0x20: {  	[sflag:s8] =	ssyncset.s32 @!p0 $0xFFFFF086;
	s6 =	sadd.s32 @!p0 s3, s7;
	s7 =	simm.s32 @!p0 $0x108  }
0x21: {  	s3 =	sadd.s32 s3, s9;
	s6 =	sadd.s32 @!p0 $0x88, s6;
	s7 =	simm.s32 @p2 $0x1082  }
0x22: {  	[simem:s7], [sflag:s8] =	dma.local @!p0 [hbm:s6], $0xF7A  }
0x23: {  	s9 =	sor.u32 $0xD0000000, s2;
	s6 =	simm.s32 $0x108;
	_ =	swait.ge @!p0 [sflag:s8], $0x0  }
0x24: {  	s3 =	sadd.s32 $0x88, s3;
	s6 =	simm.s32 @!p1 $0x1082;
	[sflag:s4] =	ssyncset.s32 $0xFFFFF086  }
0x25: {  	[simem:s6], [sflag:s4] =	dma.local [hbm:s3], $0xF7A  }
0x26: {  	[smem:$0x3F9C] =	sst s1;
	(tag) =	ssettag s2;
	_ =	strace s9  }
0x27: {  	s1 =	sld [smem:$0x3FAC]  }
0x28: {  	s2 =	sld [smem:$0x3FAD]  }
0x29: {  	s4 =	sld [smem:$0x3FAF]  }
0x2a: {  	p0 =	seq.s32 s5, $0x0;
	s5 =	sld [smem:$0x3FB0]  }
0x2b: {  	s6 =	sld [smem:$0x3FB1]  }
0x2c: {  	s7 =	sld [smem:$0x3FB2]  }
0x2d: {  	s3 =	simm.s32 $0x108;
	s8 =	sld [smem:$0x3FB3]  }
0x2e: {  	s3 =	simm.s32 @!p0 $0x1082;
	s9 =	sld [smem:$0x3FB4]  }
0x2f: {  	lr =	sadd.s32 s0, s3;
	s0 =	sld [smem:$0x3FAB]  }
0x30: {  	s3 =	sld [smem:$0x3FAE]  }
0x31: {  	[smem:$0x3FB7] =	sst s10  }
0x32: {  	s10 =	sld [smem:$0x3FB5];
	_ =	sdelay $0x3  }
0x33: {  	p0 =	seq.s32 s10, $0x1;
	s10 =	sld [smem:$0x3FB7];
	_ =	sdelay $0x3  }
0x34: {  	[smem:$0x3FB7] =	sst s10  }
0x35: {  	s10 =	sld [smem:$0x3FB6];
	_ =	sdelay $0x3  }
0x36: {  	p1 =	seq.s32 s10, $0x1;
	s10 =	sld [smem:$0x3FB7];
	_ =	sdelay $0x3  }
0x37: {  	[smem:$0x3FB7] =	sst s10  }
0x38: {  	s10 =	sld [smem:$0x3FB8]  }
0x39: {  	_ = 	snop;
	(pc) =	sbr.ind lr, $3  }
0x3a: {  	_ = 	snop  }
0x3b: {  	_ = 	snop  }
0x3c: {  	p2 =	seq.s32 s10, $0x1;
	s10 =	sld [smem:$0x3FB7]  }
0x3d: {  	_ =	shalt  }
0x3e: {  	_ =	shalt  }
0x3f: {  	_ =	shalt  }
0x40: {  	_ =	shalt  }
0x41: {  	_ =	shalt  }
0x42: {  	_ =	shalt  }
0x43: {  	_ =	shalt  }
0x44: {  	_ =	shalt  }
0x45: {  	_ =	shalt  }
0x46: {  	_ =	shalt  }
0x47: {  	_ =	shalt  }
0x48: {  	_ =	shalt  }
0x49: {  	_ =	shalt  }
0x4a: {  	_ =	shalt  }
0x4b: {  	_ =	shalt  }
0x4c: {  	_ =	shalt  }
0x4d: {  	_ =	shalt  }
0x4e: {  	_ =	shalt  }
0x4f: {  	_ =	shalt  }
0x50: {  	_ =	shalt  }
0x51: {  	_ =	shalt  }
0x52: {  	_ =	shalt  }
0x53: {  	_ =	shalt  }
0x54: {  	_ =	shalt  }
0x55: {  	_ =	shalt  }
0x56: {  	_ =	shalt  }
0x57: {  	_ =	shalt  }
0x58: {  	_ =	shalt  }
0x59: {  	_ =	shalt  }
0x5a: {  	_ =	shalt  }
0x5b: {  	_ =	shalt  }
0x5c: {  	_ =	shalt  }
0x5d: {  	_ =	shalt  }
0x5e: {  	_ =	shalt  }
0x5f: {  	_ =	shalt  }
0x60: {  	_ =	shalt  }
0x61: {  	_ =	shalt  }
0x62: {  	_ =	shalt  }
0x63: {  	_ =	shalt  }
0x64: {  	_ =	shalt  }
0x65: {  	_ =	shalt  }
0x66: {  	_ =	shalt  }
0x67: {  	_ =	shalt  }
0x68: {  	_ =	shalt  }
0x69: {  	_ =	shalt  }
0x6a: {  	_ =	shalt  }
0x6b: {  	_ =	shalt  }
0x6c: {  	_ =	shalt  }
0x6d: {  	_ =	shalt  }
0x6e: {  	_ =	shalt  }
0x6f: {  	_ =	shalt  }
0x70: {  	_ =	shalt  }
0x71: {  	_ =	shalt  }
0x72: {  	_ =	shalt  }
0x73: {  	_ =	shalt  }
0x74: {  	_ =	shalt  }
0x75: {  	_ =	shalt  }
0x76: {  	_ =	shalt  }
0x77: {  	_ =	shalt  }
0x78: {  	_ =	shalt  }
0x79: {  	_ =	shalt  }
0x7a: {  	_ =	shalt  }
0x7b: {  	_ =	shalt  }
0x7c: {  	_ =	shalt  }
0x7d: {  	_ =	shalt  }
0x7e: {  	_ =	shalt  }
0x7f: {  	_ =	shalt  }
0x80: {  	_ =	shalt  }
0x81: {  	_ =	shalt  }
0x82: {  	_ =	shalt  }
0x83: {  	_ =	shalt  }
0x84: {  	_ =	shalt  }
0x85: {  	_ =	shalt  }
0x86: {  	_ =	shalt  }
0x87: {  	_ =	shalt  }
.Lfunc_end0:
.L_simem_size_0:
called_computation_lowered:
.L_overlay_start_0:
0x88: {  	s2 =	sld [smem:$0x3FD9]  }
0x89: {  	s3 =	sld [smem:$0x3FFE];
	_ =	sdelay $0x1  }
0x8a: {  	s1 =	srdreg.scid  }
0x8b: {  	s0 =	sand.u32 $0x1, s1  }
0x8c: {  	s17 =	sshll.u32 s0, $0xA;
	s2 =	sadd.s32 s3, s2  }
0x8d: {  	s2 =	sadd.s32 s2, s17  }
0x8e: {  	[smem:$0x3FC3] =	sst s2  }
0x8f: {  	_ = 	snop  }
0x90: {  	s2 =	sld [smem:$0x3FD0];
	(tm) =	ssettm $0x1  }
0x91: {  	s18 =	sld [smem:$0x3FFB];
	_ =	sdelay $0x3  }
0x92: {  	_ =	strace s18  }
0x93: {  	s3 =	sld [smem:$0x3FFC];
	_ =	sdelay $0x3  }
0x94: {  	_ =	strace s3  }
0x95: {  	s3 =	sld [smem:$0x3FFD];
	_ =	sdelay $0x3  }
0x96: {  	_ =	strace s3  }
0x97: {  	_ =	strace $0x8FFFFFFF  }
0x98: {  	s19 =	sld [smem:$0x3FDB];
	_ =	sdelay $0x1  }
0x99: {  	s4 =	simm.s32 $_scs_section_size  }
0x9a: {  	s5 =	simm.s32 $_size__tile_overlayer_lowered;
	s6 =	simm.s32 $_tile_overlayer_lowered  }
0x9b: {  	s22 =	simm.s32 $0x1BFF;
	s21 =	sshll.u32 s6, $0x1;
	s3 =	sadd.s32 s4, s19  }
0x9c: {  	s7 =	simm.s32 $0x0;
	s20 =	sshll.u32 s5, $0x1;
	s5 =	sadd.s32 s21, s3  }
0x9d: {  	[timem:s7], [sflag:s22] =	dma.local [hbm:s5], s20  }
0x9e: {  	_ =	swait.ge [sflag:s22], s20  }
0x9f: {  	s4 =	ssub.s32 $0x0, s20;
	[sflag:s22] =	ssyncset.done $0x0  }
0xa0: {  	[sflag:s22] =	ssyncadd.s32 s4;
	_ =	sdelay $0x1  }
0xa1: {  	s23 =	simm.s32 $0x1B8B  }
0xa2: {  	_ =	swait.ge [sflag:s23], $0x1  }
0xa3: {  	[sflag:s23] =	ssyncset.done $0x0  }
0xa4: {  	s25 =	simm.s32 $0x1B8E;
	s24 =	sld [smem:$0x3FFE];
	[sflag:s23] =	ssyncadd.s32 $0xFFFFFFFF  }
0xa5: {  	s26 =	simm.s32 $execute0_lowered;
	[smem:$0x3FD2] =	sst s25  }
0xa6: {  	s5 =	sshll.u32 s26, $0x1;
	_ =	strace $0x80000046;
	[dreg:$0x1] =	wrdreg $0xFFFFFFFF  }
0xa7: {  	s28 =	simm.s32 $_size_execute0_lowered;
	s3 =	sadd.s32 s3, s5;
	[dreg:$0x0] =	wrdreg $0x0  }
0xa8: {  	s5 =	sshll.u32 s28, $0x1;
	[dreg:$0x2] =	wrdreg s3  }
0xa9: {  	[dreg:$0x3] =	wrdreg s5  }
0xaa: {  	[dreg:$0x4] =	wrdreg $0xC0  }
0xab: {  	_ =	task [dreg:s7], $0x5FFFF  }
0xac: {  	[dreg:$0x1] =	wrdreg $0xFFFFFFFF  }
0xad: {  	[dreg:$0x0] =	wrdreg $0x60  }
0xae: {  	[dreg:$0x2] =	wrdreg s24  }
0xaf: {  	[dreg:$0x3] =	wrdreg s2  }
0xb0: {  	[dreg:$0x4] =	wrdreg $0x82000  }
0xb1: {  	[dreg:$0x5] =	wrdreg $0x9  }
0xb2: {  	_ =	task.clear_ibuf [dreg:s7], $0x6FFFF;
	_ =	strace $0x90000046  }
0xb3: {  	s29 =	simm.s32 $0x9;
	_ =	strace $0x80000048  }
0xb4: {  	_ =	swait.ge [sflag:s29], $0x1  }
0xb5: {  	[sflag:s29] =	ssyncadd.s32 $0xFFFFFFFF  }
0xb6: {  	_ =	strace $0x90000048  }
0xb7: {  	_ =	sfence  }
0xb8: {  	s30 =	sld [smem:$0x0];
	_ =	sdelay $0x2  }
0xb9: {  	s31 =	sshll.u32 s1, $0xD;
	s1 =	sshrl.u32 s1, $0x2  }
0xba: {  	s3 =	sand.u32 $0x4000, s31;
	s1 =	sadd.s32 s1, s30  }
0xbb: {  	s0 =	sor.u32 s3, s0;
	s1 =	sshll.u32 s1, $0x11  }
0xbc: {  	s0 =	sor.u32 s1, s0  }
0xbd: {  	s0 =	sadd.s32 $0x8F2B, s0  }
0xbe: {  	[sflag:s0] =	ssyncadd.remote.s32 $0x1  }
0xbf: {  	_ =	sfence.sel $0xFFFF  }
0xc0: {  	[dreg:$0x0] =	wrdreg $0xFFFFFFFF;
	(pc) =	sbr.abs _section_cstart, $3  }
0xc1: {  	[dreg:$0x1] =	wrdreg $0xFFFFFFFF  }
0xc2: {  	_ =	task.clear_ibuf [dreg:s7], $0x2FFFF;
	_ =	strace $0x9FFFFFFF  }
0xc3: {  	(tm) =	ssettm $0x7FFFFFFF  }
tec
execute0_lowered:
.L_overlay_start_1:
0x0: {  	(tag) =	ssettag $0x1  }
0x1: {  	s0 =	rddreg [dreg:$0x0]  }
0x2: {  	s2 =	rddreg [dreg:$0x1]  }
0x3: {  	s1 =	rddreg [dreg:$0x2];
	s3 =	simm.s32 $0x0  }
0x4: {  	s4 =	srdreg.scid;
	s12 =	stileid.u32;
	s17 =	simm.s32 $0x7  }
0x5: {  	s18 =	simm.s32 $0x80;
	s19 =	simm.s32 $0x100;
	s20 =	simm.s32 $0x180  }
0x6: {  	s21 =	simm.s32 $0x1;
	s22 =	simm.s32 $0x200;
	s28 =	simm.s32 $0x4  }
0x7: {  	s29 =	simm.s32 $0x6;
	s30 =	simm.s32 $0x0;
	s7 =	smul.u32 $0x13C00, s12  }
0x8: {  	[smem:$0x7FF] =	sst s3;
	s5 =	sand.u32 $0x1, s4;
	s11 =	smul.u32 $0x1C, s12  }
0x9: {  	s4 =	sadd.s32 $0x1000, s0;
	s10 =	sadd.s32 $0x41FC00, s0;
	s24 =	smul.u32 $0x4F000, s12  }
0xa: {  	s8 =	sadd.s32 $0x429C00, s0;
	s25 =	sshll.u32 s12, $0x6;
	s6 =	smul.u32 $0x13C000, s5  }
0xb: {  	_ =	strace $0x80000047;
	[dreg:$0x4] =	wrdreg s8;
	s23 =	ssub.s32 $0x2, s5  }
0xc: {  	s8 =	smul.u32 $0x84, s12;
	p0 =	seq.s32 s5, $0x0;
	s9 =	sshrl.u32 s23, $0x1  }
0xd: {  	s5 =	sadd.s32 $0x840, s11;
	s6 =	sadd.s32 s7, s6;
	s13 =	ssub.s32 s23, s9  }
0xe: {  	s5 =	smov.u32 @p0 s8;
	s7 =	sshrl.u32 s24, $0x2;
	s23 =	simm.s32 $0x2  }
0xf: {  	s24 =	simm.s32 $0x4200;
	s6 =	sshrl.u32 s6, $0x3;
	s14 =	sadd.s32 s7, s1  }
0x10: {  	s5 =	sshll.u32 s5, $0x4;
	s7 =	sor.u32 $0x1C07, s25;
	s13 =	smax.u32 s13, $0x1  }
0x11: {  	s25 =	simm.s32 $0x3;
	s0 =	sadd.s32 s6, s0;
	s6 =	simm.s32 $0x41  }
0x12: {  	s8 =	sadd.s32 s10, s5;
	s26 =	sor.u32 $0x10, s5;
	s9 =	sadd.s32 s2, s5  }
0x13: {  	s16 =	sshrl.u32 s14, $0x3;
	s6 =	simm.s32 @!p0 $0xD;
	s31 =	sadd.s32 s10, s26  }
0x14: {  	s11 =	sadd.s32 s2, s26;
	s12 =	sadd.s32 $0x42C400, s0;
	s5 =	sadd.s32 $0x30, s9  }
0x15: {  	s15 =	sadd.s32 $0x30, s8;
	s26 =	simm.s32 $0x5;
	[dreg:$0x5] =	wrdreg s31  }
.LBB2_1:
0x16: {  	s0 =	rddreg [dreg:$0x4]  }
0x17: {  	[spmem:s16], [sflag:s7] =	dma.local [hbm:s0], $0x2780  }
0x18: {  	_ =	swait.ge [sflag:s17], $0x2780  }
0x19: {  	[sflag:s17] =	ssyncset.done $0x0  }
0x1a: {  	[sflag:s17] =	ssyncadd.s32 $0xFFFFD880  }
0x1b: {  	[bflag:$0x0] =	sbarrier.arrive $0xFFFF  }
0x1c: {  	[tilespmem:s3], [sflag:$0x1] =	stream.linear.gather [hbm4b:s8+s3], $0x80, $0x38;
	[tilespmem:$0x1BE00] =	vst v63  }
0x1d: {  	_ = 	snop  }
0x1e: {  	[tilespmem:s18], [sflag:$0x1] =	stream.linear.gather [hbm4b:s9+s3], $0x80, $0x38;
	[tilespmem:$0x1BE00] =	vst v63  }
0x1f: {  	s2 =	rddreg [dreg:$0x5]  }
0x20: {  	[tilespmem:s19], [sflag:$0x2] =	stream.linear.gather [hbm4b:s2+s3], $0x80, $0x38;
	[tilespmem:$0x1BE00] =	vst v63  }
0x21: {  	_ = 	snop  }
0x22: {  	[tilespmem:s20], [sflag:$0x2] =	stream.linear.gather [hbm4b:s11+s3], $0x80, $0x38;
	[tilespmem:$0x1BE00] =	vst v63  }
0x23: {  	_ =	swait.ge [sflag:s21], $0x80  }
0x24: {  	[sflag:s21] =	ssyncset.done $0x0  }
0x25: {  	[sflag:s21] =	ssyncadd.s32 $0xFFFFFF80  }
0x26: {  	_ =	swait.ge [sflag:s21], $0x80  }
0x27: {  	[sflag:s21] =	ssyncset.done $0x0  }
0x28: {  	[sflag:s21] =	ssyncadd.s32 $0xFFFFFF80  }
0x29: {  	[tilespmem:s22], [sflag:$0x3] =	stream.indirect.gather [hbm4b:s4+s18], $0x80, s3, s18, $0xb8;
	[tilespmem:$0x1BE00] =	vst v63  }
0x2a: {  	_ =	swait.ge [sflag:s23], $0x80  }
0x2b: {  	[sflag:s23] =	ssyncset.done $0x0  }
0x2c: {  	[sflag:s23] =	ssyncadd.s32 $0xFFFFFF80  }
0x2d: {  	_ =	swait.ge [sflag:s23], $0x80  }
0x2e: {  	[sflag:s23] =	ssyncset.done $0x0  }
0x2f: {  	[sflag:s23] =	ssyncadd.s32 $0xFFFFFF80  }
0x30: {  	[tilespmem:s24], [sflag:$0x4] =	stream.indirect.gather [hbm4b:s4+s18], $0x80, s19, s18, $0xb8;
	[tilespmem:$0x1BE00] =	vst v63  }
0x31: {  	_ =	swait.ge [sflag:s25], $0x4000  }
0x32: {  	[sflag:s25] =	ssyncset.done $0x0  }
0x33: {  	[sflag:s25] =	ssyncadd.s32 $0xFFFFC000  }
0x34: {  	[spmem:s1] =	stream.indirect.scatter.add.f32 [tilespmem:s22], [sflag:$0x5], $0x80, s18, s18, $0xb8;
	[tilespmem:$0x1BE00] =	vst v63  }
0x35: {  	_ =	swait.ge [sflag:s26], $0x4000  }
0x36: {  	[sflag:s26] =	ssyncset.done $0x0  }
0x37: {  	s10 =	sadd.s32 $0xFFFFFFF0, s15;
	[sflag:s26] =	ssyncadd.s32 $0xFFFFC000  }
0x38: {  	[tilespmem:s3], [sflag:$0x1] =	stream.linear.gather [hbm4b:s10+s3], $0x80, $0x38;
	[tilespmem:$0x1BE00] =	vst v63  }
0x39: {  	s14 =	sadd.s32 $0xFFFFFFF0, s5  }
0x3a: {  	[tilespmem:s18], [sflag:$0x1] =	stream.linear.gather [hbm4b:s14+s3], $0x80, $0x38;
	[tilespmem:$0x1BE00] =	vst v63  }
0x3b: {  	_ =	swait.ge [sflag:s21], $0x80  }
0x3c: {  	[sflag:s21] =	ssyncset.done $0x0  }
0x3d: {  	[sflag:s21] =	ssyncadd.s32 $0xFFFFFF80  }
0x3e: {  	_ =	swait.ge [sflag:s21], $0x80  }
0x3f: {  	[sflag:s21] =	ssyncset.done $0x0  }
0x40: {  	[sflag:s21] =	ssyncadd.s32 $0xFFFFFF80  }
0x41: {  	[tilespmem:s22], [sflag:$0x3] =	stream.indirect.gather [hbm4b:s4+s18], $0x80, s3, s18, $0xb8;
	[tilespmem:$0x1BE00] =	vst v63  }
0x42: {  	_ =	swait.ge [sflag:s28], $0x4000  }
0x43: {  	[sflag:s28] =	ssyncset.done $0x0  }
0x44: {  	p0 =	sne.s32 s6, $0x1;
	[sflag:s28] =	ssyncadd.s32 $0xFFFFC000  }
0x45: {  	[spmem:s1] =	stream.indirect.scatter.add.f32 [tilespmem:s24], [sflag:$0x6], $0x80, s20, s18, $0xb8;
	[tilespmem:$0x1BE00] =	vst v63  }
.Ltmp0:
0x46: {  	_ = 	snop;
	(pc) =	sbr.rel @!p0 .LBB2_3-.Ltmp0, $4  }
0x47: {  	_ =	swait.ge [sflag:s29], $0x4000  }
0x48: {  	s31 =	sadd.s32 $0xFFFFFFFF, s6;
	s0 =	sadd.s32 $0x20, s5;
	[sflag:s29] =	ssyncset.done $0x0  }
0x49: {  	s2 =	sadd.s32 $0x20, s15;
	s14 =	smov.u32 s5;
	[sflag:s29] =	ssyncadd.s32 $0xFFFFC000  }
0x4a: {  	[tilespmem:s19], [sflag:$0x2] =	stream.linear.gather [hbm4b:s15+s3], $0x80, $0x38;
	[tilespmem:$0x1BE00] =	vst v63  }
.LBB2_2:
0x4b: {  	[tilespmem:s20], [sflag:$0x2] =	stream.linear.gather [hbm4b:s14+s3], $0x80, $0x38;
	[tilespmem:$0x1BE00] =	vst v63  }
0x4c: {  	p0 =	sne.s32 s31, $0x1;
	s31 =	sadd.s32 $0xFFFFFFFF, s31;
	_ =	swait.ge [sflag:s23], $0x80  }
0x4d: {  	s14 =	smov.u32 s0;
	[sflag:s23] =	ssyncset.done $0x0  }
0x4e: {  	[sflag:s23] =	ssyncadd.s32 $0xFFFFFF80  }
0x4f: {  	_ =	swait.ge [sflag:s23], $0x80  }
0x50: {  	[sflag:s23] =	ssyncset.done $0x0  }
0x51: {  	[sflag:s23] =	ssyncadd.s32 $0xFFFFFF80  }
0x52: {  	[tilespmem:s24], [sflag:$0x4] =	stream.indirect.gather [hbm4b:s4+s18], $0x80, s19, s18, $0xb8;
	[tilespmem:$0x1BE00] =	vst v63  }
0x53: {  	_ =	swait.ge [sflag:s25], $0x4000  }
0x54: {  	[sflag:s25] =	ssyncset.done $0x0  }
0x55: {  	[sflag:s25] =	ssyncadd.s32 $0xFFFFC000  }
0x56: {  	[spmem:s1] =	stream.indirect.scatter.add.f32 [tilespmem:s22], [sflag:$0x5], $0x80, s18, s18, $0xb8;
	[tilespmem:$0x1BE00] =	vst v63  }
0x57: {  	_ =	swait.ge [sflag:s26], $0x4000  }
0x58: {  	[sflag:s26] =	ssyncset.done $0x0  }
0x59: {  	s10 =	sadd.s32 $0xFFFFFFF0, s2;
	[sflag:s26] =	ssyncadd.s32 $0xFFFFC000  }
0x5a: {  	[tilespmem:s3], [sflag:$0x1] =	stream.linear.gather [hbm4b:s10+s3], $0x80, $0x38;
	[tilespmem:$0x1BE00] =	vst v63  }
0x5b: {  	s10 =	sadd.s32 $0xFFFFFFF0, s0  }
0x5c: {  	[tilespmem:s18], [sflag:$0x1] =	stream.linear.gather [hbm4b:s10+s3], $0x80, $0x38;
	[tilespmem:$0x1BE00] =	vst v63  }
0x5d: {  	_ =	swait.ge [sflag:s21], $0x80  }
0x5e: {  	[sflag:s21] =	ssyncset.done $0x0  }
0x5f: {  	[sflag:s21] =	ssyncadd.s32 $0xFFFFFF80  }
0x60: {  	_ =	swait.ge [sflag:s21], $0x80  }
0x61: {  	[sflag:s21] =	ssyncset.done $0x0  }
0x62: {  	[sflag:s21] =	ssyncadd.s32 $0xFFFFFF80  }
0x63: {  	[tilespmem:s22], [sflag:$0x3] =	stream.indirect.gather [hbm4b:s4+s18], $0x80, s3, s18, $0xb8;
	[tilespmem:$0x1BE00] =	vst v63  }
0x64: {  	_ =	swait.ge [sflag:s28], $0x4000  }
0x65: {  	[sflag:s28] =	ssyncset.done $0x0  }
0x66: {  	[sflag:s28] =	ssyncadd.s32 $0xFFFFC000  }
0x67: {  	[spmem:s1] =	stream.indirect.scatter.add.f32 [tilespmem:s24], [sflag:$0x6], $0x80, s20, s18, $0xb8;
	[tilespmem:$0x1BE00] =	vst v63  }
.Ltmp1:
0x68: {  	_ =	swait.ge [sflag:s29], $0x4000;
	(pc) =	sbr.rel @p0 .LBB2_2-.Ltmp1, $4  }
0x69: {  	[sflag:s29] =	ssyncset.done $0x0  }
0x6a: {  	[sflag:s29] =	ssyncadd.s32 $0xFFFFC000  }
0x6b: {  	[tilespmem:s19], [sflag:$0x2] =	stream.linear.gather [hbm4b:s2+s3], $0x80, $0x38;
	[tilespmem:$0x1BE00] =	vst v63  }
0x6c: {  	s0 =	sadd.s32 $0x20, s0;
	s2 =	sadd.s32 $0x20, s2  }
.LBB2_3:
0x6d: {  	[tilespmem:s20], [sflag:$0x2] =	stream.linear.gather [hbm4b:s14+s3], $0x80, $0x38;
	[tilespmem:$0x1BE00] =	vst v63  }
0x6e: {  	_ =	swait.ge [sflag:s23], $0x80  }
0x6f: {  	[sflag:s23] =	ssyncset.done $0x0  }
0x70: {  	[sflag:s23] =	ssyncadd.s32 $0xFFFFFF80  }
0x71: {  	_ =	swait.ge [sflag:s23], $0x80  }
0x72: {  	[sflag:s23] =	ssyncset.done $0x0  }
0x73: {  	[sflag:s23] =	ssyncadd.s32 $0xFFFFFF80  }
0x74: {  	[tilespmem:s24], [sflag:$0x4] =	stream.indirect.gather [hbm4b:s4+s18], $0x80, s19, s18, $0xb8;
	[tilespmem:$0x1BE00] =	vst v63  }
0x75: {  	_ =	swait.ge [sflag:s25], $0x4000  }
0x76: {  	[sflag:s25] =	ssyncset.done $0x0  }
0x77: {  	[sflag:s25] =	ssyncadd.s32 $0xFFFFC000  }
0x78: {  	[spmem:s1] =	stream.indirect.scatter.add.f32 [tilespmem:s22], [sflag:$0x5], $0x80, s18, s18, $0xb8;
	[tilespmem:$0x1BE00] =	vst v63  }
0x79: {  	_ =	swait.ge [sflag:s26], $0x4000  }
0x7a: {  	[sflag:s26] =	ssyncset.done $0x0  }
0x7b: {  	[sflag:s26] =	ssyncadd.s32 $0xFFFFC000  }
0x7c: {  	_ =	swait.ge [sflag:s28], $0x4000  }
0x7d: {  	[sflag:s28] =	ssyncset.done $0x0  }
0x7e: {  	[sflag:s28] =	ssyncadd.s32 $0xFFFFC000  }
0x7f: {  	[spmem:s1] =	stream.indirect.scatter.add.f32 [tilespmem:s24], [sflag:$0x6], $0x80, s20, s18, $0xb8;
	[tilespmem:$0x1BE00] =	vst v63  }
0x80: {  	_ =	swait.ge [sflag:s29], $0x4000  }
0x81: {  	s30 =	sadd.s32 $0x1, s30;
	[sflag:s29] =	ssyncset.done $0x0  }
0x82: {  	p0 =	sne.s32 s30, s13;
	[sflag:s29] =	ssyncadd.s32 $0xFFFFC000  }
.Ltmp2:
0x83: {  	[bflag:$0x0] =	sbarrier.arrive $0xFFFF;
	(pc) =	sbr.rel @p0 .LBB2_1-.Ltmp2, $4  }
0x84: {  	[hbm:s12], [sflag:s7] =	dma.local [spmem:s16], $0x2780  }
0x85: {  	_ =	swait.ge [sflag:s17], $0x2780  }
0x86: {  	[sflag:s17] =	ssyncset.done $0x0  }
0x87: {  	[sflag:s17] =	ssyncadd.s32 $0xFFFFD880  }
0x88: {  	_ =	sfence.sel $0x180000  }
0x89: {  	[bflag:$0x0] =	sbarrier.arrive $0xFFFF  }
0x8a: {  	_ =	strace $0x90000047  }
0x8b: {  	s0 =	stileid.u32;
	[bflag:$0x2] =	sbarrier.arrive $0xFFFF  }
0x8c: {  	p0 =	sne.s32 s0, $0x0;
	s0 =	rddreg [dreg:$0x3]  }
0x8d: {  	s0 =	sadd.s32 @!p0 $0x100000, s0  }
0x8e: {  	[sflag:s0] =	ssyncadd.tile.s32 @!p0 $0x1;
	_ =	shalt  }
.Lfunc_end2:
_tile_overlayer_lowered:
.L_overlay_start_2:
0x8f: {  	(tag) =	ssettag $0x2  }
0x90: {  	s0 =	rddreg [dreg:$0x0];
	s2 =	stileid.u32  }
0x91: {  	s1 =	rddreg [dreg:$0x1];
	p0 =	sne.s32 s2, $0x0  }
0x92: {  	s3 =	rddreg [dreg:$0x2];
	[bflag:$0x3] =	sbarrier.arrive $0xFFFF;
	s2 =	simm.s32 @!p0 $0x1C07  }
0x93: {  	[timem:s3], [sflag:s2] =	dma.local @!p0 [hbm:s0], s1  }
0x94: {  	s0 =	simm.s32 @!p0 $0x7  }
0x95: {  	_ =	swait.ge @!p0 [sflag:s0], s1  }
0x96: {  	s1 =	ssub.s32 @!p0 $0x0, s1;
	[sflag:s0] =	ssyncset.done @!p0 $0x0  }
0x97: {  	[sflag:s0] =	ssyncadd.s32 @!p0 s1  }
0x98: {  	[bflag:$0x3] =	sbarrier.arrive $0xFFFF  }
0x99: {  	_ =	shalt  }

</sc_bundles>
